<compile_context>
chip_gen: v7x
topology: tpu7x:2x2x1
jax: 0.10.2.dev20260603
libtpu: 0.0.44.dev20260713+nightly
codegen_flags: <defaults>
</compile_context>

<pallas_src>
import functools

import jax
import jax.numpy as jnp
from jax import lax
from jax.experimental import pallas as pl
from jax.experimental.pallas import tpu as pltpu
from jax.experimental.pallas import tpu_sc as plsc

_LANES = 16


def _permute_cols(x, index):
    n_rows, n_cols = x.shape
    info = plsc.get_sparse_core_info()
    num_workers = info.num_cores * info.num_subcores
    rows_per_w = n_rows // num_workers
    chunk = 8
    while rows_per_w % (2 * chunk):
        chunk //= 2
    half = chunk // 2
    n_chunks = rows_per_w // chunk
    n_pairs = n_chunks // 2

    mesh = plsc.VectorSubcoreMesh(core_axis_name="c", subcore_axis_name="s")

    @functools.partial(
        pl.kernel,
        out_type=jax.ShapeDtypeStruct((n_rows, n_cols), jnp.float32),
        mesh=mesh,
        scratch_types=[
            pltpu.VMEM((n_cols,), jnp.int32),
            [pltpu.VMEM((chunk, n_cols), jnp.float32) for _ in range(2)],
            [pltpu.VMEM((half, n_cols), jnp.float32) for _ in range(2)],
            [pltpu.SemaphoreType.DMA for _ in range(2)],
            [pltpu.SemaphoreType.DMA for _ in range(2)],
        ],
        compiler_params=pltpu.CompilerParams(needs_layout_passes=False),
    )
    def run(x_hbm, idx_hbm, out_hbm, idx_v, in_v, out_v, sem_in, sem_out):
        wid = lax.axis_index("s") * info.num_cores + lax.axis_index("c")
        pltpu.sync_copy(idx_hbm, idx_v)
        base = wid * rows_per_w

        def src_at(ci):
            return x_hbm.at[pl.ds(base + ci * chunk, chunk)]

        def dst_at(ci, h):
            return out_hbm.at[pl.ds(base + ci * chunk + h * half, half)]

        for b in range(2):
            pltpu.async_copy(src_at(b), in_v[b], sem_in[b])

        def do_pair(pi, _):
            for b in range(2):
                ci = 2 * pi + b
                pltpu.make_async_copy(src_at(ci), in_v[b], sem_in[b]).wait()

                for h in range(2):
                    def drain(h=h, ci=ci):
                        pltpu.make_async_copy(
                            out_v[h], dst_at(ci - 1, h), sem_out[h]
                        ).wait()

                    if b > 0:
                        drain()
                    else:
                        pl.when(pi > 0)(drain)

                    @plsc.parallel_loop(0, n_cols, step=_LANES, unroll=8)
                    def gather_group(off):
                        off = pl.multiple_of(off, _LANES)
                        cols = idx_v[pl.ds(off, _LANES)]
                        for r in range(half):
                            row = jnp.full((_LANES,), h * half + r, jnp.int32)
                            vals = plsc.load_gather(in_v[b], [row, cols])
                            out_v[h][r, pl.ds(off, _LANES)] = vals

                    pltpu.async_copy(out_v[h], dst_at(ci, h), sem_out[h])

                @pl.when(pi < n_pairs - 1)
                def _():
                    pltpu.async_copy(src_at(ci + 2), in_v[b], sem_in[b])

            return 0

        lax.fori_loop(0, n_pairs, do_pair, 0)

        for h in range(2):
            pltpu.make_async_copy(
                out_v[h], dst_at(n_chunks - 1, h), sem_out[h]
            ).wait()

    return run(x, index)


def kernel(x, index):
    z = _permute_cols(x, index)
    log_det = jnp.zeros(x.shape[0], dtype=x.dtype)
    return (z, log_det)

# --- scband reference (transcript-rebuilt; emitter-appended) ---
"""Pipeline reference for scband-permute-59992103190698 (READ-ONLY COPY).

The authoritative reference and input builder live on the scoring server;
editing this copy changes nothing except your own understanding.
"""

import jax, jax.numpy as jnp
import numpy as np


def _build_index(dim=4096, seed=1, nx=64, ny=64, block_x=4, block_y=4):
    subdomain = block_x * block_y
    rng = np.random.RandomState(seed)
    x_dim = np.linspace(0, nx, block_x + 1, dtype='int32')[1:]
    x_dim[1:] -= x_dim[:-1].copy()
    y_dim = np.linspace(0, ny, block_y + 1, dtype='int32')[1:]
    y_dim[1:] -= y_dim[:-1].copy()
    sub_dim = (x_dim.reshape(-1, 1) * y_dim).reshape(-1)
    cum_dim = np.insert(np.cumsum(sub_dim), 0, 0)
    index = np.zeros(dim, dtype='int32')
    for i in range(subdomain):
        index[cum_dim[i]:cum_dim[i + 1]] = rng.permutation(sub_dim[i]) + cum_dim[i]
    return index


def setup_inputs(seed: int = 0) -> dict:
    key = jax.random.key(seed)
    x = jax.random.normal(key, (16384, 4096), dtype=jnp.float32)
    index = jnp.asarray(_build_index(dim=4096, seed=1, nx=64, ny=64, block_x=4, block_y=4), dtype=jnp.int32)
    return {"x": x, "index": index}


def reference(x, index):
    # forward: z = x[:, self.index]; log_det = zeros(batch)
    z = jnp.take(x, index, axis=1)
    log_det = jnp.zeros(x.shape[0], dtype=x.dtype)
    return (z, log_det)

if __name__ == "__main__":
    import jax
    _d = setup_inputs()
    print(jax.jit(kernel)(*tuple(_d.values())))

</pallas_src>

<mosaic_0001>
#map = affine_map<(d0, d1) -> (0, 0)>
#map1 = affine_map<(d0, d1) -> (0)>
module attributes {stable_mosaic.version = 14 : i64} {
  func.func @run(%arg0: i32, %arg1: i32, %arg2: memref<16384x4096xf32, #tpu.memory_space<hbm>>, %arg3: memref<4096xi32, #tpu.memory_space<hbm>>, %arg4: memref<16384x4096xf32, #tpu.memory_space<hbm>>, %arg5: memref<4096xi32, #tpu.memory_space<vmem>>, %arg6: memref<8x4096xf32, #tpu.memory_space<vmem>>, %arg7: memref<8x4096xf32, #tpu.memory_space<vmem>>, %arg8: memref<4x4096xf32, #tpu.memory_space<vmem>>, %arg9: memref<4x4096xf32, #tpu.memory_space<vmem>>, %arg10: memref<!tpu.dma_semaphore, #tpu.memory_space<semaphore_mem>>, %arg11: memref<!tpu.dma_semaphore, #tpu.memory_space<semaphore_mem>>, %arg12: memref<!tpu.dma_semaphore, #tpu.memory_space<semaphore_mem>>, %arg13: memref<!tpu.dma_semaphore, #tpu.memory_space<semaphore_mem>>) attributes {dimension_semantics = [#tpu.dimension_semantics<core_parallel>, #tpu.dimension_semantics<subcore_parallel>], iteration_bounds = array<i64: 2, 16>, scalar_prefetch = 0 : i64, scratch_operands = 9 : i64, tpu.core_type = #tpu.core_type<sc_vector_subcore>, window_params = [{transform_indices = #map}, {transform_indices = #map1}, {transform_indices = #map}]} {
    %mul3A = arith.constant 2 : i32
    %mul3A_0 = arith.muli %arg1, %mul3A : i32
    %add3A = arith.addi %mul3A_0, %arg0 : i32
    "tpu.region"() ({
      %run_scoped3A = tpu.sem_alloc : memref<!tpu.dma_semaphore, #tpu.memory_space<semaphore_mem>>
      tpu.enqueue_dma source(%arg3 : memref<4096xi32, #tpu.memory_space<hbm>>) target(%arg5 : memref<4096xi32, #tpu.memory_space<vmem>>) target_semaphore(%run_scoped3A : memref<!tpu.dma_semaphore, #tpu.memory_space<semaphore_mem>>)
      tpu.wait_dma2 semaphore(%run_scoped3A : memref<!tpu.dma_semaphore, #tpu.memory_space<semaphore_mem>>) src(%arg3 : memref<4096xi32, #tpu.memory_space<hbm>>) dst(%arg5 : memref<4096xi32, #tpu.memory_space<vmem>>)
      tpu.yield
    }) : () -> ()
    %mul3A_1 = arith.constant 512 : i32
    %mul3A_2 = arith.muli %add3A, %mul3A_1 : i32
    %add3A_3 = arith.constant 0 : i32
    %add3A_4 = arith.addi %mul3A_2, %add3A_3 : i32
    %dma_start3A = arith.constant 0 : i32
    %dma_start3A_5 = tpu.memref_slice %arg2[%add3A_4, %dma_start3A] : memref<16384x4096xf32, #tpu.memory_space<hbm>> -> memref<8x4096xf32, #tpu.memory_space<hbm>>
    %dma_start3A_6 = arith.constant 0 : i32
    %dma_start3A_7 = tpu.memref_slice %arg2[%add3A_4, %dma_start3A_6] : memref<16384x4096xf32, #tpu.memory_space<hbm>> -> memref<8x4096xf32, #tpu.memory_space<hbm>>
    tpu.enqueue_dma source(%dma_start3A_7 : memref<8x4096xf32, #tpu.memory_space<hbm>>) target(%arg6 : memref<8x4096xf32, #tpu.memory_space<vmem>>) target_semaphore(%arg10 : memref<!tpu.dma_semaphore, #tpu.memory_space<semaphore_mem>>)
    %add3A_8 = arith.constant 8 : i32
    %add3A_9 = arith.addi %mul3A_2, %add3A_8 : i32
    %dma_start3A_10 = arith.constant 0 : i32
    %dma_start3A_11 = tpu.memref_slice %arg2[%add3A_9, %dma_start3A_10] : memref<16384x4096xf32, #tpu.memory_space<hbm>> -> memref<8x4096xf32, #tpu.memory_space<hbm>>
    %dma_start3A_12 = arith.constant 0 : i32
    %dma_start3A_13 = tpu.memref_slice %arg2[%add3A_9, %dma_start3A_12] : memref<16384x4096xf32, #tpu.memory_space<hbm>> -> memref<8x4096xf32, #tpu.memory_space<hbm>>
    tpu.enqueue_dma source(%dma_start3A_13 : memref<8x4096xf32, #tpu.memory_space<hbm>>) target(%arg7 : memref<8x4096xf32, #tpu.memory_space<vmem>>) target_semaphore(%arg11 : memref<!tpu.dma_semaphore, #tpu.memory_space<semaphore_mem>>)
    %scan3A = arith.constant 0 : i32
    %scan3A_14 = arith.constant 0 : i32
    %scan3A_15 = arith.constant 32 : i32
    %scan3A_16 = arith.addi %scan3A_14, %scan3A_15 : i32
    %scan3A_17 = arith.constant 1 : i32
    %scan3A_18 = scf.for %scan3A_35 = %scan3A_14 to %scan3A_16 step %scan3A_17 iter_args(%scan3A_36 = %scan3A) -> (i32)  : i32 {
      %mul3A_37 = arith.constant 2 : i32
      %mul3A_38 = arith.muli %mul3A_37, %scan3A_35 : i32
      %add3A_39 = arith.constant 0 : i32
      %add3A_40 = arith.addi %mul3A_38, %add3A_39 : i32
      %mul3A_41 = arith.constant 8 : i32
      %mul3A_42 = arith.muli %add3A_40, %mul3A_41 : i32
      %add3A_43 = arith.addi %mul3A_2, %mul3A_42 : i32
      %dma_wait3A_44 = arith.constant 0 : i32
      %dma_wait3A_45 = tpu.memref_slice %arg2[%add3A_43, %dma_wait3A_44] : memref<16384x4096xf32, #tpu.memory_space<hbm>> -> memref<8x4096xf32, #tpu.memory_space<hbm>>
      %dma_wait3A_46 = arith.constant 0 : i32
      %dma_wait3A_47 = tpu.memref_slice %arg2[%add3A_43, %dma_wait3A_46] : memref<16384x4096xf32, #tpu.memory_space<hbm>> -> memref<8x4096xf32, #tpu.memory_space<hbm>>
      tpu.wait_dma2 semaphore(%arg10 : memref<!tpu.dma_semaphore, #tpu.memory_space<semaphore_mem>>) src(%dma_wait3A_47 : memref<8x4096xf32, #tpu.memory_space<hbm>>) dst(%arg6 : memref<8x4096xf32, #tpu.memory_space<vmem>>)
      %gt3A = arith.constant 0 : i32
      %gt3A_48 = arith.cmpi sgt, %scan3A_35, %gt3A : i32
      %convert_element_type3A = arith.extui %gt3A_48 : i1 to i32
      %cond3A = arith.constant 0 : i32
      %cond3A_49 = arith.cmpi ne, %convert_element_type3A, %cond3A : i32
      scf.if %cond3A_49 {
        %sub3A_144 = arith.constant 1 : i32
        %sub3A_145 = arith.subi %add3A_40, %sub3A_144 : i32
        %mul3A_146 = arith.constant 8 : i32
        %mul3A_147 = arith.muli %sub3A_145, %mul3A_146 : i32
        %add3A_148 = arith.addi %mul3A_2, %mul3A_147 : i32
        %add3A_149 = arith.constant 0 : i32
        %add3A_150 = arith.addi %add3A_148, %add3A_149 : i32
        %dma_wait3A_151 = arith.constant 0 : i32
        %dma_wait3A_152 = tpu.memref_slice %arg4[%add3A_150, %dma_wait3A_151] : memref<16384x4096xf32, #tpu.memory_space<hbm>> -> memref<4x4096xf32, #tpu.memory_space<hbm>>
        %dma_wait3A_153 = arith.constant 0 : i32
        %dma_wait3A_154 = tpu.memref_slice %arg4[%add3A_150, %dma_wait3A_153] : memref<16384x4096xf32, #tpu.memory_space<hbm>> -> memref<4x4096xf32, #tpu.memory_space<hbm>>
        tpu.wait_dma2 semaphore(%arg12 : memref<!tpu.dma_semaphore, #tpu.memory_space<semaphore_mem>>) src(%arg8 : memref<4x4096xf32, #tpu.memory_space<vmem>>) dst(%dma_wait3A_154 : memref<4x4096xf32, #tpu.memory_space<hbm>>)
      } else {
      }
      %parallel_loop3A = arith.constant 0 : i32
      %parallel_loop3A_50 = arith.constant 4096 : i32
      %parallel_loop3A_51 = arith.constant 16 : i32
      scf.for %parallel_loop3A_144 = %parallel_loop3A to %parallel_loop3A_50 step %parallel_loop3A_51  : i32 {
        %parallel_loop3A_145 = tpu.assume_multiple %parallel_loop3A_144, 16 : i32
        %parallel_loop3A_146 = arith.index_cast %parallel_loop3A_145 : i32 to index
        %parallel_loop3A_147 = tpu.vector_load %arg5[%parallel_loop3A_146] {strides = array<i32>} : memref<4096xi32, #tpu.memory_space<vmem>>, vector<16xi32>,
        %parallel_loop3A_148 = arith.constant 0 : i32
        %parallel_loop3A_149 = vector.broadcast %parallel_loop3A_148 : i32 to vector<16xi32>
        %parallel_loop3A_150 = tpu.vector_load_idx %arg6[%parallel_loop3A_149, %parallel_loop3A_147] : memref<8x4096xf32, #tpu.memory_space<vmem>>[vector<16xi32>, vector<16xi32>], vector<16xf32>,
        %parallel_loop3A_151 = arith.constant 0 : i32
        %parallel_loop3A_152 = arith.index_cast %parallel_loop3A_151 : i32 to index
        %parallel_loop3A_153 = arith.index_cast %parallel_loop3A_145 : i32 to index
        %parallel_loop3A_154 = tpu.vector_load %arg8[%parallel_loop3A_152, %parallel_loop3A_153] {strides = array<i32>} : memref<4x4096xf32, #tpu.memory_space<vmem>>, vector<16xf32>,
        tpu.vector_store %arg8[%parallel_loop3A_152, %parallel_loop3A_153], %parallel_loop3A_150 {strides = array<i32>} : memref<4x4096xf32, #tpu.memory_space<vmem>>, vector<16xf32>,
        %parallel_loop3A_155 = arith.constant 1 : i32
        %parallel_loop3A_156 = vector.broadcast %parallel_loop3A_155 : i32 to vector<16xi32>
        %parallel_loop3A_157 = tpu.vector_load_idx %arg6[%parallel_loop3A_156, %parallel_loop3A_147] : memref<8x4096xf32, #tpu.memory_space<vmem>>[vector<16xi32>, vector<16xi32>], vector<16xf32>,
        %parallel_loop3A_158 = arith.constant 1 : i32
        %parallel_loop3A_159 = arith.index_cast %parallel_loop3A_158 : i32 to index
        %parallel_loop3A_160 = arith.index_cast %parallel_loop3A_145 : i32 to index
        %parallel_loop3A_161 = tpu.vector_load %arg8[%parallel_loop3A_159, %parallel_loop3A_160] {strides = array<i32>} : memref<4x4096xf32, #tpu.memory_space<vmem>>, vector<16xf32>,
        tpu.vector_store %arg8[%parallel_loop3A_159, %parallel_loop3A_160], %parallel_loop3A_157 {strides = array<i32>} : memref<4x4096xf32, #tpu.memory_space<vmem>>, vector<16xf32>,
        %parallel_loop3A_162 = arith.constant 2 : i32
        %parallel_loop3A_163 = vector.broadcast %parallel_loop3A_162 : i32 to vector<16xi32>
        %parallel_loop3A_164 = tpu.vector_load_idx %arg6[%parallel_loop3A_163, %parallel_loop3A_147] : memref<8x4096xf32, #tpu.memory_space<vmem>>[vector<16xi32>, vector<16xi32>], vector<16xf32>,
        %parallel_loop3A_165 = arith.constant 2 : i32
        %parallel_loop3A_166 = arith.index_cast %parallel_loop3A_165 : i32 to index
        %parallel_loop3A_167 = arith.index_cast %parallel_loop3A_145 : i32 to index
        %parallel_loop3A_168 = tpu.vector_load %arg8[%parallel_loop3A_166, %parallel_loop3A_167] {strides = array<i32>} : memref<4x4096xf32, #tpu.memory_space<vmem>>, vector<16xf32>,
        tpu.vector_store %arg8[%parallel_loop3A_166, %parallel_loop3A_167], %parallel_loop3A_164 {strides = array<i32>} : memref<4x4096xf32, #tpu.memory_space<vmem>>, vector<16xf32>,
        %parallel_loop3A_169 = arith.constant 3 : i32
        %parallel_loop3A_170 = vector.broadcast %parallel_loop3A_169 : i32 to vector<16xi32>
        %parallel_loop3A_171 = tpu.vector_load_idx %arg6[%parallel_loop3A_170, %parallel_loop3A_147] : memref<8x4096xf32, #tpu.memory_space<vmem>>[vector<16xi32>, vector<16xi32>], vector<16xf32>,
        %parallel_loop3A_172 = arith.constant 3 : i32
        %parallel_loop3A_173 = arith.index_cast %parallel_loop3A_172 : i32 to index
        %parallel_loop3A_174 = arith.index_cast %parallel_loop3A_145 : i32 to index
        %parallel_loop3A_175 = tpu.vector_load %arg8[%parallel_loop3A_173, %parallel_loop3A_174] {strides = array<i32>} : memref<4x4096xf32, #tpu.memory_space<vmem>>, vector<16xf32>,
        tpu.vector_store %arg8[%parallel_loop3A_173, %parallel_loop3A_174], %parallel_loop3A_171 {strides = array<i32>} : memref<4x4096xf32, #tpu.memory_space<vmem>>, vector<16xf32>,
      } {sc.loop_unroll_factor = 8 : i64, sc.parallel_access}
      %mul3A_52 = arith.constant 8 : i32
      %mul3A_53 = arith.muli %add3A_40, %mul3A_52 : i32
      %add3A_54 = arith.addi %mul3A_2, %mul3A_53 : i32
      %add3A_55 = arith.constant 0 : i32
      %add3A_56 = arith.addi %add3A_54, %add3A_55 : i32
      %dma_start3A_57 = arith.constant 0 : i32
      %dma_start3A_58 = tpu.memref_slice %arg4[%add3A_56, %dma_start3A_57] : memref<16384x4096xf32, #tpu.memory_space<hbm>> -> memref<4x4096xf32, #tpu.memory_space<hbm>>
      %dma_start3A_59 = arith.constant 0 : i32
      %dma_start3A_60 = tpu.memref_slice %arg4[%add3A_56, %dma_start3A_59] : memref<16384x4096xf32, #tpu.memory_space<hbm>> -> memref<4x4096xf32, #tpu.memory_space<hbm>>
      tpu.enqueue_dma source(%arg8 : memref<4x4096xf32, #tpu.memory_space<vmem>>) target(%dma_start3A_60 : memref<4x4096xf32, #tpu.memory_space<hbm>>) target_semaphore(%arg12 : memref<!tpu.dma_semaphore, #tpu.memory_space<semaphore_mem>>)
      %gt3A_61 = arith.constant 0 : i32
      %gt3A_62 = arith.cmpi sgt, %scan3A_35, %gt3A_61 : i32
      %convert_element_type3A_63 = arith.extui %gt3A_62 : i1 to i32
      %cond3A_64 = arith.constant 0 : i32
      %cond3A_65 = arith.cmpi ne, %convert_element_type3A_63, %cond3A_64 : i32
      scf.if %cond3A_65 {
        %sub3A_144 = arith.constant 1 : i32
        %sub3A_145 = arith.subi %add3A_40, %sub3A_144 : i32
        %mul3A_146 = arith.constant 8 : i32
        %mul3A_147 = arith.muli %sub3A_145, %mul3A_146 : i32
        %add3A_148 = arith.addi %mul3A_2, %mul3A_147 : i32
        %add3A_149 = arith.constant 4 : i32
        %add3A_150 = arith.addi %add3A_148, %add3A_149 : i32
        %dma_wait3A_151 = arith.constant 0 : i32
        %dma_wait3A_152 = tpu.memref_slice %arg4[%add3A_150, %dma_wait3A_151] : memref<16384x4096xf32, #tpu.memory_space<hbm>> -> memref<4x4096xf32, #tpu.memory_space<hbm>>
        %dma_wait3A_153 = arith.constant 0 : i32
        %dma_wait3A_154 = tpu.memref_slice %arg4[%add3A_150, %dma_wait3A_153] : memref<16384x4096xf32, #tpu.memory_space<hbm>> -> memref<4x4096xf32, #tpu.memory_space<hbm>>
        tpu.wait_dma2 semaphore(%arg13 : memref<!tpu.dma_semaphore, #tpu.memory_space<semaphore_mem>>) src(%arg9 : memref<4x4096xf32, #tpu.memory_space<vmem>>) dst(%dma_wait3A_154 : memref<4x4096xf32, #tpu.memory_space<hbm>>)
      } else {
      }
      %parallel_loop3A_66 = arith.constant 0 : i32
      %parallel_loop3A_67 = arith.constant 4096 : i32
      %parallel_loop3A_68 = arith.constant 16 : i32
      scf.for %parallel_loop3A_144 = %parallel_loop3A_66 to %parallel_loop3A_67 step %parallel_loop3A_68  : i32 {
        %parallel_loop3A_145 = tpu.assume_multiple %parallel_loop3A_144, 16 : i32
        %parallel_loop3A_146 = arith.index_cast %parallel_loop3A_145 : i32 to index
        %parallel_loop3A_147 = tpu.vector_load %arg5[%parallel_loop3A_146] {strides = array<i32>} : memref<4096xi32, #tpu.memory_space<vmem>>, vector<16xi32>,
        %parallel_loop3A_148 = arith.constant 4 : i32
        %parallel_loop3A_149 = vector.broadcast %parallel_loop3A_148 : i32 to vector<16xi32>
        %parallel_loop3A_150 = tpu.vector_load_idx %arg6[%parallel_loop3A_149, %parallel_loop3A_147] : memref<8x4096xf32, #tpu.memory_space<vmem>>[vector<16xi32>, vector<16xi32>], vector<16xf32>,
        %parallel_loop3A_151 = arith.constant 0 : i32
        %parallel_loop3A_152 = arith.index_cast %parallel_loop3A_151 : i32 to index
        %parallel_loop3A_153 = arith.index_cast %parallel_loop3A_145 : i32 to index
        %parallel_loop3A_154 = tpu.vector_load %arg9[%parallel_loop3A_152, %parallel_loop3A_153] {strides = array<i32>} : memref<4x4096xf32, #tpu.memory_space<vmem>>, vector<16xf32>,
        tpu.vector_store %arg9[%parallel_loop3A_152, %parallel_loop3A_153], %parallel_loop3A_150 {strides = array<i32>} : memref<4x4096xf32, #tpu.memory_space<vmem>>, vector<16xf32>,
        %parallel_loop3A_155 = arith.constant 5 : i32
        %parallel_loop3A_156 = vector.broadcast %parallel_loop3A_155 : i32 to vector<16xi32>
        %parallel_loop3A_157 = tpu.vector_load_idx %arg6[%parallel_loop3A_156, %parallel_loop3A_147] : memref<8x4096xf32, #tpu.memory_space<vmem>>[vector<16xi32>, vector<16xi32>], vector<16xf32>,
        %parallel_loop3A_158 = arith.constant 1 : i32
        %parallel_loop3A_159 = arith.index_cast %parallel_loop3A_158 : i32 to index
        %parallel_loop3A_160 = arith.index_cast %parallel_loop3A_145 : i32 to index
        %parallel_loop3A_161 = tpu.vector_load %arg9[%parallel_loop3A_159, %parallel_loop3A_160] {strides = array<i32>} : memref<4x4096xf32, #tpu.memory_space<vmem>>, vector<16xf32>,
        tpu.vector_store %arg9[%parallel_loop3A_159, %parallel_loop3A_160], %parallel_loop3A_157 {strides = array<i32>} : memref<4x4096xf32, #tpu.memory_space<vmem>>, vector<16xf32>,
        %parallel_loop3A_162 = arith.constant 6 : i32
        %parallel_loop3A_163 = vector.broadcast %parallel_loop3A_162 : i32 to vector<16xi32>
        %parallel_loop3A_164 = tpu.vector_load_idx %arg6[%parallel_loop3A_163, %parallel_loop3A_147] : memref<8x4096xf32, #tpu.memory_space<vmem>>[vector<16xi32>, vector<16xi32>], vector<16xf32>,
        %parallel_loop3A_165 = arith.constant 2 : i32
        %parallel_loop3A_166 = arith.index_cast %parallel_loop3A_165 : i32 to index
        %parallel_loop3A_167 = arith.index_cast %parallel_loop3A_145 : i32 to index
        %parallel_loop3A_168 = tpu.vector_load %arg9[%parallel_loop3A_166, %parallel_loop3A_167] {strides = array<i32>} : memref<4x4096xf32, #tpu.memory_space<vmem>>, vector<16xf32>,
        tpu.vector_store %arg9[%parallel_loop3A_166, %parallel_loop3A_167], %parallel_loop3A_164 {strides = array<i32>} : memref<4x4096xf32, #tpu.memory_space<vmem>>, vector<16xf32>,
        %parallel_loop3A_169 = arith.constant 7 : i32
        %parallel_loop3A_170 = vector.broadcast %parallel_loop3A_169 : i32 to vector<16xi32>
        %parallel_loop3A_171 = tpu.vector_load_idx %arg6[%parallel_loop3A_170, %parallel_loop3A_147] : memref<8x4096xf32, #tpu.memory_space<vmem>>[vector<16xi32>, vector<16xi32>], vector<16xf32>,
        %parallel_loop3A_172 = arith.constant 3 : i32
        %parallel_loop3A_173 = arith.index_cast %parallel_loop3A_172 : i32 to index
        %parallel_loop3A_174 = arith.index_cast %parallel_loop3A_145 : i32 to index
        %parallel_loop3A_175 = tpu.vector_load %arg9[%parallel_loop3A_173, %parallel_loop3A_174] {strides = array<i32>} : memref<4x4096xf32, #tpu.memory_space<vmem>>, vector<16xf32>,
        tpu.vector_store %arg9[%parallel_loop3A_173, %parallel_loop3A_174], %parallel_loop3A_171 {strides = array<i32>} : memref<4x4096xf32, #tpu.memory_space<vmem>>, vector<16xf32>,
      } {sc.loop_unroll_factor = 8 : i64, sc.parallel_access}
      %mul3A_69 = arith.constant 8 : i32
      %mul3A_70 = arith.muli %add3A_40, %mul3A_69 : i32
      %add3A_71 = arith.addi %mul3A_2, %mul3A_70 : i32
      %add3A_72 = arith.constant 4 : i32
      %add3A_73 = arith.addi %add3A_71, %add3A_72 : i32
      %dma_start3A_74 = arith.constant 0 : i32
      %dma_start3A_75 = tpu.memref_slice %arg4[%add3A_73, %dma_start3A_74] : memref<16384x4096xf32, #tpu.memory_space<hbm>> -> memref<4x4096xf32, #tpu.memory_space<hbm>>
      %dma_start3A_76 = arith.constant 0 : i32
      %dma_start3A_77 = tpu.memref_slice %arg4[%add3A_73, %dma_start3A_76] : memref<16384x4096xf32, #tpu.memory_space<hbm>> -> memref<4x4096xf32, #tpu.memory_space<hbm>>
      tpu.enqueue_dma source(%arg9 : memref<4x4096xf32, #tpu.memory_space<vmem>>) target(%dma_start3A_77 : memref<4x4096xf32, #tpu.memory_space<hbm>>) target_semaphore(%arg13 : memref<!tpu.dma_semaphore, #tpu.memory_space<semaphore_mem>>)
      %lt3A = arith.constant 31 : i32
      %lt3A_78 = arith.cmpi slt, %scan3A_35, %lt3A : i32
      %convert_element_type3A_79 = arith.extui %lt3A_78 : i1 to i32
      %cond3A_80 = arith.constant 0 : i32
      %cond3A_81 = arith.cmpi ne, %convert_element_type3A_79, %cond3A_80 : i32
      scf.if %cond3A_81 {
        %add3A_144 = arith.constant 2 : i32
        %add3A_145 = arith.addi %add3A_40, %add3A_144 : i32
        %mul3A_146 = arith.constant 8 : i32
        %mul3A_147 = arith.muli %add3A_145, %mul3A_146 : i32
        %add3A_148 = arith.addi %mul3A_2, %mul3A_147 : i32
        %dma_start3A_149 = arith.constant 0 : i32
        %dma_start3A_150 = tpu.memref_slice %arg2[%add3A_148, %dma_start3A_149] : memref<16384x4096xf32, #tpu.memory_space<hbm>> -> memref<8x4096xf32, #tpu.memory_space<hbm>>
        %dma_start3A_151 = arith.constant 0 : i32
        %dma_start3A_152 = tpu.memref_slice %arg2[%add3A_148, %dma_start3A_151] : memref<16384x4096xf32, #tpu.memory_space<hbm>> -> memref<8x4096xf32, #tpu.memory_space<hbm>>
        tpu.enqueue_dma source(%dma_start3A_152 : memref<8x4096xf32, #tpu.memory_space<hbm>>) target(%arg6 : memref<8x4096xf32, #tpu.memory_space<vmem>>) target_semaphore(%arg10 : memref<!tpu.dma_semaphore, #tpu.memory_space<semaphore_mem>>)
      } else {
      }
      %mul3A_82 = arith.constant 2 : i32
      %mul3A_83 = arith.muli %mul3A_82, %scan3A_35 : i32
      %add3A_84 = arith.constant 1 : i32
      %add3A_85 = arith.addi %mul3A_83, %add3A_84 : i32
      %mul3A_86 = arith.constant 8 : i32
      %mul3A_87 = arith.muli %add3A_85, %mul3A_86 : i32
      %add3A_88 = arith.addi %mul3A_2, %mul3A_87 : i32
      %dma_wait3A_89 = arith.constant 0 : i32
      %dma_wait3A_90 = tpu.memref_slice %arg2[%add3A_88, %dma_wait3A_89] : memref<16384x4096xf32, #tpu.memory_space<hbm>> -> memref<8x4096xf32, #tpu.memory_space<hbm>>
      %dma_wait3A_91 = arith.constant 0 : i32
      %dma_wait3A_92 = tpu.memref_slice %arg2[%add3A_88, %dma_wait3A_91] : memref<16384x4096xf32, #tpu.memory_space<hbm>> -> memref<8x4096xf32, #tpu.memory_space<hbm>>
      tpu.wait_dma2 semaphore(%arg11 : memref<!tpu.dma_semaphore, #tpu.memory_space<semaphore_mem>>) src(%dma_wait3A_92 : memref<8x4096xf32, #tpu.memory_space<hbm>>) dst(%arg7 : memref<8x4096xf32, #tpu.memory_space<vmem>>)
      %sub3A = arith.constant 1 : i32
      %sub3A_93 = arith.subi %add3A_85, %sub3A : i32
      %mul3A_94 = arith.constant 8 : i32
      %mul3A_95 = arith.muli %sub3A_93, %mul3A_94 : i32
      %add3A_96 = arith.addi %mul3A_2, %mul3A_95 : i32
      %add3A_97 = arith.constant 0 : i32
      %add3A_98 = arith.addi %add3A_96, %add3A_97 : i32
      %dma_wait3A_99 = arith.constant 0 : i32
      %dma_wait3A_100 = tpu.memref_slice %arg4[%add3A_98, %dma_wait3A_99] : memref<16384x4096xf32, #tpu.memory_space<hbm>> -> memref<4x4096xf32, #tpu.memory_space<hbm>>
      %dma_wait3A_101 = arith.constant 0 : i32
      %dma_wait3A_102 = tpu.memref_slice %arg4[%add3A_98, %dma_wait3A_101] : memref<16384x4096xf32, #tpu.memory_space<hbm>> -> memref<4x4096xf32, #tpu.memory_space<hbm>>
      tpu.wait_dma2 semaphore(%arg12 : memref<!tpu.dma_semaphore, #tpu.memory_space<semaphore_mem>>) src(%arg8 : memref<4x4096xf32, #tpu.memory_space<vmem>>) dst(%dma_wait3A_102 : memref<4x4096xf32, #tpu.memory_space<hbm>>)
      %parallel_loop3A_103 = arith.constant 0 : i32
      %parallel_loop3A_104 = arith.constant 4096 : i32
      %parallel_loop3A_105 = arith.constant 16 : i32
      scf.for %parallel_loop3A_144 = %parallel_loop3A_103 to %parallel_loop3A_104 step %parallel_loop3A_105  : i32 {
        %parallel_loop3A_145 = tpu.assume_multiple %parallel_loop3A_144, 16 : i32
        %parallel_loop3A_146 = arith.index_cast %parallel_loop3A_145 : i32 to index
        %parallel_loop3A_147 = tpu.vector_load %arg5[%parallel_loop3A_146] {strides = array<i32>} : memref<4096xi32, #tpu.memory_space<vmem>>, vector<16xi32>,
        %parallel_loop3A_148 = arith.constant 0 : i32
        %parallel_loop3A_149 = vector.broadcast %parallel_loop3A_148 : i32 to vector<16xi32>
        %parallel_loop3A_150 = tpu.vector_load_idx %arg7[%parallel_loop3A_149, %parallel_loop3A_147] : memref<8x4096xf32, #tpu.memory_space<vmem>>[vector<16xi32>, vector<16xi32>], vector<16xf32>,
        %parallel_loop3A_151 = arith.constant 0 : i32
        %parallel_loop3A_152 = arith.index_cast %parallel_loop3A_151 : i32 to index
        %parallel_loop3A_153 = arith.index_cast %parallel_loop3A_145 : i32 to index
        %parallel_loop3A_154 = tpu.vector_load %arg8[%parallel_loop3A_152, %parallel_loop3A_153] {strides = array<i32>} : memref<4x4096xf32, #tpu.memory_space<vmem>>, vector<16xf32>,
        tpu.vector_store %arg8[%parallel_loop3A_152, %parallel_loop3A_153], %parallel_loop3A_150 {strides = array<i32>} : memref<4x4096xf32, #tpu.memory_space<vmem>>, vector<16xf32>,
        %parallel_loop3A_155 = arith.constant 1 : i32
        %parallel_loop3A_156 = vector.broadcast %parallel_loop3A_155 : i32 to vector<16xi32>
        %parallel_loop3A_157 = tpu.vector_load_idx %arg7[%parallel_loop3A_156, %parallel_loop3A_147] : memref<8x4096xf32, #tpu.memory_space<vmem>>[vector<16xi32>, vector<16xi32>], vector<16xf32>,
        %parallel_loop3A_158 = arith.constant 1 : i32
        %parallel_loop3A_159 = arith.index_cast %parallel_loop3A_158 : i32 to index
        %parallel_loop3A_160 = arith.index_cast %parallel_loop3A_145 : i32 to index
        %parallel_loop3A_161 = tpu.vector_load %arg8[%parallel_loop3A_159, %parallel_loop3A_160] {strides = array<i32>} : memref<4x4096xf32, #tpu.memory_space<vmem>>, vector<16xf32>,
        tpu.vector_store %arg8[%parallel_loop3A_159, %parallel_loop3A_160], %parallel_loop3A_157 {strides = array<i32>} : memref<4x4096xf32, #tpu.memory_space<vmem>>, vector<16xf32>,
        %parallel_loop3A_162 = arith.constant 2 : i32
        %parallel_loop3A_163 = vector.broadcast %parallel_loop3A_162 : i32 to vector<16xi32>
        %parallel_loop3A_164 = tpu.vector_load_idx %arg7[%parallel_loop3A_163, %parallel_loop3A_147] : memref<8x4096xf32, #tpu.memory_space<vmem>>[vector<16xi32>, vector<16xi32>], vector<16xf32>,
        %parallel_loop3A_165 = arith.constant 2 : i32
        %parallel_loop3A_166 = arith.index_cast %parallel_loop3A_165 : i32 to index
        %parallel_loop3A_167 = arith.index_cast %parallel_loop3A_145 : i32 to index
        %parallel_loop3A_168 = tpu.vector_load %arg8[%parallel_loop3A_166, %parallel_loop3A_167] {strides = array<i32>} : memref<4x4096xf32, #tpu.memory_space<vmem>>, vector<16xf32>,
        tpu.vector_store %arg8[%parallel_loop3A_166, %parallel_loop3A_167], %parallel_loop3A_164 {strides = array<i32>} : memref<4x4096xf32, #tpu.memory_space<vmem>>, vector<16xf32>,
        %parallel_loop3A_169 = arith.constant 3 : i32
        %parallel_loop3A_170 = vector.broadcast %parallel_loop3A_169 : i32 to vector<16xi32>
        %parallel_loop3A_171 = tpu.vector_load_idx %arg7[%parallel_loop3A_170, %parallel_loop3A_147] : memref<8x4096xf32, #tpu.memory_space<vmem>>[vector<16xi32>, vector<16xi32>], vector<16xf32>,
        %parallel_loop3A_172 = arith.constant 3 : i32
        %parallel_loop3A_173 = arith.index_cast %parallel_loop3A_172 : i32 to index
        %parallel_loop3A_174 = arith.index_cast %parallel_loop3A_145 : i32 to index
        %parallel_loop3A_175 = tpu.vector_load %arg8[%parallel_loop3A_173, %parallel_loop3A_174] {strides = array<i32>} : memref<4x4096xf32, #tpu.memory_space<vmem>>, vector<16xf32>,
        tpu.vector_store %arg8[%parallel_loop3A_173, %parallel_loop3A_174], %parallel_loop3A_171 {strides = array<i32>} : memref<4x4096xf32, #tpu.memory_space<vmem>>, vector<16xf32>,
      } {sc.loop_unroll_factor = 8 : i64, sc.parallel_access}
      %mul3A_106 = arith.constant 8 : i32
      %mul3A_107 = arith.muli %add3A_85, %mul3A_106 : i32
      %add3A_108 = arith.addi %mul3A_2, %mul3A_107 : i32
      %add3A_109 = arith.constant 0 : i32
      %add3A_110 = arith.addi %add3A_108, %add3A_109 : i32
      %dma_start3A_111 = arith.constant 0 : i32
      %dma_start3A_112 = tpu.memref_slice %arg4[%add3A_110, %dma_start3A_111] : memref<16384x4096xf32, #tpu.memory_space<hbm>> -> memref<4x4096xf32, #tpu.memory_space<hbm>>
      %dma_start3A_113 = arith.constant 0 : i32
      %dma_start3A_114 = tpu.memref_slice %arg4[%add3A_110, %dma_start3A_113] : memref<16384x4096xf32, #tpu.memory_space<hbm>> -> memref<4x4096xf32, #tpu.memory_space<hbm>>
      tpu.enqueue_dma source(%arg8 : memref<4x4096xf32, #tpu.memory_space<vmem>>) target(%dma_start3A_114 : memref<4x4096xf32, #tpu.memory_space<hbm>>) target_semaphore(%arg12 : memref<!tpu.dma_semaphore, #tpu.memory_space<semaphore_mem>>)
      %sub3A_115 = arith.constant 1 : i32
      %sub3A_116 = arith.subi %add3A_85, %sub3A_115 : i32
      %mul3A_117 = arith.constant 8 : i32
      %mul3A_118 = arith.muli %sub3A_116, %mul3A_117 : i32
      %add3A_119 = arith.addi %mul3A_2, %mul3A_118 : i32
      %add3A_120 = arith.constant 4 : i32
      %add3A_121 = arith.addi %add3A_119, %add3A_120 : i32
      %dma_wait3A_122 = arith.constant 0 : i32
      %dma_wait3A_123 = tpu.memref_slice %arg4[%add3A_121, %dma_wait3A_122] : memref<16384x4096xf32, #tpu.memory_space<hbm>> -> memref<4x4096xf32, #tpu.memory_space<hbm>>
      %dma_wait3A_124 = arith.constant 0 : i32
      %dma_wait3A_125 = tpu.memref_slice %arg4[%add3A_121, %dma_wait3A_124] : memref<16384x4096xf32, #tpu.memory_space<hbm>> -> memref<4x4096xf32, #tpu.memory_space<hbm>>
      tpu.wait_dma2 semaphore(%arg13 : memref<!tpu.dma_semaphore, #tpu.memory_space<semaphore_mem>>) src(%arg9 : memref<4x4096xf32, #tpu.memory_space<vmem>>) dst(%dma_wait3A_125 : memref<4x4096xf32, #tpu.memory_space<hbm>>)
      %parallel_loop3A_126 = arith.constant 0 : i32
      %parallel_loop3A_127 = arith.constant 4096 : i32
      %parallel_loop3A_128 = arith.constant 16 : i32
      scf.for %parallel_loop3A_144 = %parallel_loop3A_126 to %parallel_loop3A_127 step %parallel_loop3A_128  : i32 {
        %parallel_loop3A_145 = tpu.assume_multiple %parallel_loop3A_144, 16 : i32
        %parallel_loop3A_146 = arith.index_cast %parallel_loop3A_145 : i32 to index
        %parallel_loop3A_147 = tpu.vector_load %arg5[%parallel_loop3A_146] {strides = array<i32>} : memref<4096xi32, #tpu.memory_space<vmem>>, vector<16xi32>,
        %parallel_loop3A_148 = arith.constant 4 : i32
        %parallel_loop3A_149 = vector.broadcast %parallel_loop3A_148 : i32 to vector<16xi32>
        %parallel_loop3A_150 = tpu.vector_load_idx %arg7[%parallel_loop3A_149, %parallel_loop3A_147] : memref<8x4096xf32, #tpu.memory_space<vmem>>[vector<16xi32>, vector<16xi32>], vector<16xf32>,
        %parallel_loop3A_151 = arith.constant 0 : i32
        %parallel_loop3A_152 = arith.index_cast %parallel_loop3A_151 : i32 to index
        %parallel_loop3A_153 = arith.index_cast %parallel_loop3A_145 : i32 to index
        %parallel_loop3A_154 = tpu.vector_load %arg9[%parallel_loop3A_152, %parallel_loop3A_153] {strides = array<i32>} : memref<4x4096xf32, #tpu.memory_space<vmem>>, vector<16xf32>,
        tpu.vector_store %arg9[%parallel_loop3A_152, %parallel_loop3A_153], %parallel_loop3A_150 {strides = array<i32>} : memref<4x4096xf32, #tpu.memory_space<vmem>>, vector<16xf32>,
        %parallel_loop3A_155 = arith.constant 5 : i32
        %parallel_loop3A_156 = vector.broadcast %parallel_loop3A_155 : i32 to vector<16xi32>
        %parallel_loop3A_157 = tpu.vector_load_idx %arg7[%parallel_loop3A_156, %parallel_loop3A_147] : memref<8x4096xf32, #tpu.memory_space<vmem>>[vector<16xi32>, vector<16xi32>], vector<16xf32>,
        %parallel_loop3A_158 = arith.constant 1 : i32
        %parallel_loop3A_159 = arith.index_cast %parallel_loop3A_158 : i32 to index
        %parallel_loop3A_160 = arith.index_cast %parallel_loop3A_145 : i32 to index
        %parallel_loop3A_161 = tpu.vector_load %arg9[%parallel_loop3A_159, %parallel_loop3A_160] {strides = array<i32>} : memref<4x4096xf32, #tpu.memory_space<vmem>>, vector<16xf32>,
        tpu.vector_store %arg9[%parallel_loop3A_159, %parallel_loop3A_160], %parallel_loop3A_157 {strides = array<i32>} : memref<4x4096xf32, #tpu.memory_space<vmem>>, vector<16xf32>,
        %parallel_loop3A_162 = arith.constant 6 : i32
        %parallel_loop3A_163 = vector.broadcast %parallel_loop3A_162 : i32 to vector<16xi32>
        %parallel_loop3A_164 = tpu.vector_load_idx %arg7[%parallel_loop3A_163, %parallel_loop3A_147] : memref<8x4096xf32, #tpu.memory_space<vmem>>[vector<16xi32>, vector<16xi32>], vector<16xf32>,
        %parallel_loop3A_165 = arith.constant 2 : i32
        %parallel_loop3A_166 = arith.index_cast %parallel_loop3A_165 : i32 to index
        %parallel_loop3A_167 = arith.index_cast %parallel_loop3A_145 : i32 to index
        %parallel_loop3A_168 = tpu.vector_load %arg9[%parallel_loop3A_166, %parallel_loop3A_167] {strides = array<i32>} : memref<4x4096xf32, #tpu.memory_space<vmem>>, vector<16xf32>,
        tpu.vector_store %arg9[%parallel_loop3A_166, %parallel_loop3A_167], %parallel_loop3A_164 {strides = array<i32>} : memref<4x4096xf32, #tpu.memory_space<vmem>>, vector<16xf32>,
        %parallel_loop3A_169 = arith.constant 7 : i32
        %parallel_loop3A_170 = vector.broadcast %parallel_loop3A_169 : i32 to vector<16xi32>
        %parallel_loop3A_171 = tpu.vector_load_idx %arg7[%parallel_loop3A_170, %parallel_loop3A_147] : memref<8x4096xf32, #tpu.memory_space<vmem>>[vector<16xi32>, vector<16xi32>], vector<16xf32>,
        %parallel_loop3A_172 = arith.constant 3 : i32
        %parallel_loop3A_173 = arith.index_cast %parallel_loop3A_172 : i32 to index
        %parallel_loop3A_174 = arith.index_cast %parallel_loop3A_145 : i32 to index
        %parallel_loop3A_175 = tpu.vector_load %arg9[%parallel_loop3A_173, %parallel_loop3A_174] {strides = array<i32>} : memref<4x4096xf32, #tpu.memory_space<vmem>>, vector<16xf32>,
        tpu.vector_store %arg9[%parallel_loop3A_173, %parallel_loop3A_174], %parallel_loop3A_171 {strides = array<i32>} : memref<4x4096xf32, #tpu.memory_space<vmem>>, vector<16xf32>,
      } {sc.loop_unroll_factor = 8 : i64, sc.parallel_access}
      %mul3A_129 = arith.constant 8 : i32
      %mul3A_130 = arith.muli %add3A_85, %mul3A_129 : i32
      %add3A_131 = arith.addi %mul3A_2, %mul3A_130 : i32
      %add3A_132 = arith.constant 4 : i32
      %add3A_133 = arith.addi %add3A_131, %add3A_132 : i32
      %dma_start3A_134 = arith.constant 0 : i32
      %dma_start3A_135 = tpu.memref_slice %arg4[%add3A_133, %dma_start3A_134] : memref<16384x4096xf32, #tpu.memory_space<hbm>> -> memref<4x4096xf32, #tpu.memory_space<hbm>>
      %dma_start3A_136 = arith.constant 0 : i32
      %dma_start3A_137 = tpu.memref_slice %arg4[%add3A_133, %dma_start3A_136] : memref<16384x4096xf32, #tpu.memory_space<hbm>> -> memref<4x4096xf32, #tpu.memory_space<hbm>>
      tpu.enqueue_dma source(%arg9 : memref<4x4096xf32, #tpu.memory_space<vmem>>) target(%dma_start3A_137 : memref<4x4096xf32, #tpu.memory_space<hbm>>) target_semaphore(%arg13 : memref<!tpu.dma_semaphore, #tpu.memory_space<semaphore_mem>>)
      %lt3A_138 = arith.constant 31 : i32
      %lt3A_139 = arith.cmpi slt, %scan3A_35, %lt3A_138 : i32
      %convert_element_type3A_140 = arith.extui %lt3A_139 : i1 to i32
      %cond3A_141 = arith.constant 0 : i32
      %cond3A_142 = arith.cmpi ne, %convert_element_type3A_140, %cond3A_141 : i32
      scf.if %cond3A_142 {
        %add3A_144 = arith.constant 2 : i32
        %add3A_145 = arith.addi %add3A_85, %add3A_144 : i32
        %mul3A_146 = arith.constant 8 : i32
        %mul3A_147 = arith.muli %add3A_145, %mul3A_146 : i32
        %add3A_148 = arith.addi %mul3A_2, %mul3A_147 : i32
        %dma_start3A_149 = arith.constant 0 : i32
        %dma_start3A_150 = tpu.memref_slice %arg2[%add3A_148, %dma_start3A_149] : memref<16384x4096xf32, #tpu.memory_space<hbm>> -> memref<8x4096xf32, #tpu.memory_space<hbm>>
        %dma_start3A_151 = arith.constant 0 : i32
        %dma_start3A_152 = tpu.memref_slice %arg2[%add3A_148, %dma_start3A_151] : memref<16384x4096xf32, #tpu.memory_space<hbm>> -> memref<8x4096xf32, #tpu.memory_space<hbm>>
        tpu.enqueue_dma source(%dma_start3A_152 : memref<8x4096xf32, #tpu.memory_space<hbm>>) target(%arg7 : memref<8x4096xf32, #tpu.memory_space<vmem>>) target_semaphore(%arg11 : memref<!tpu.dma_semaphore, #tpu.memory_space<semaphore_mem>>)
      } else {
      }
      %scan3A_143 = arith.constant 0 : i32
      scf.yield %scan3A_143 : i32
    }
    %scan3A_19 = arith.constant 32 : i32
    %add3A_20 = arith.constant 504 : i32
    %add3A_21 = arith.addi %mul3A_2, %add3A_20 : i32
    %add3A_22 = arith.constant 0 : i32
    %add3A_23 = arith.addi %add3A_21, %add3A_22 : i32
    %dma_wait3A = arith.constant 0 : i32
    %dma_wait3A_24 = tpu.memref_slice %arg4[%add3A_23, %dma_wait3A] : memref<16384x4096xf32, #tpu.memory_space<hbm>> -> memref<4x4096xf32, #tpu.memory_space<hbm>>
    %dma_wait3A_25 = arith.constant 0 : i32
    %dma_wait3A_26 = tpu.memref_slice %arg4[%add3A_23, %dma_wait3A_25] : memref<16384x4096xf32, #tpu.memory_space<hbm>> -> memref<4x4096xf32, #tpu.memory_space<hbm>>
    tpu.wait_dma2 semaphore(%arg12 : memref<!tpu.dma_semaphore, #tpu.memory_space<semaphore_mem>>) src(%arg8 : memref<4x4096xf32, #tpu.memory_space<vmem>>) dst(%dma_wait3A_26 : memref<4x4096xf32, #tpu.memory_space<hbm>>)
    %add3A_27 = arith.constant 504 : i32
    %add3A_28 = arith.addi %mul3A_2, %add3A_27 : i32
    %add3A_29 = arith.constant 4 : i32
    %add3A_30 = arith.addi %add3A_28, %add3A_29 : i32
    %dma_wait3A_31 = arith.constant 0 : i32
    %dma_wait3A_32 = tpu.memref_slice %arg4[%add3A_30, %dma_wait3A_31] : memref<16384x4096xf32, #tpu.memory_space<hbm>> -> memref<4x4096xf32, #tpu.memory_space<hbm>>
    %dma_wait3A_33 = arith.constant 0 : i32
    %dma_wait3A_34 = tpu.memref_slice %arg4[%add3A_30, %dma_wait3A_33] : memref<16384x4096xf32, #tpu.memory_space<hbm>> -> memref<4x4096xf32, #tpu.memory_space<hbm>>
    tpu.wait_dma2 semaphore(%arg13 : memref<!tpu.dma_semaphore, #tpu.memory_space<semaphore_mem>>) src(%arg9 : memref<4x4096xf32, #tpu.memory_space<vmem>>) dst(%dma_wait3A_34 : memref<4x4096xf32, #tpu.memory_space<hbm>>)
    return
  }
}

</mosaic_0001>

<sc_bundles>
// kernel: kernel.3.cloned.1.call-start
scs
__scs_entry_jumppad:
0x0: {  	(pc) =	sbr.rel $0x88, $3  }
0x1: {  	(tag) =	ssettag $0x0;
	lr =	simm.s32 $0x1  }
0x2: {  	[smem:$0x3F9F] =	sst lr;
	_ =	strace $0xD0000000  }
0x3: {  	_ = 	snop  }
0x4: {  	_ = 	snop  }
0x5: {  	_ = 	snop  }
0x6: {  	_ = 	snop  }
0x7: {  	_ = 	snop  }
__scs_overlays_trampoline_lowered:
0x8: {  	[smem:$0x3FAE] =	sst s0  }
0x9: {  	[smem:$0x3FAF] =	sst s1  }
0xa: {  	[smem:$0x3FB0] =	sst s2  }
0xb: {  	[smem:$0x3FB1] =	sst s3  }
0xc: {  	[smem:$0x3FB2] =	sst s4  }
0xd: {  	[smem:$0x3FB3] =	sst s5  }
0xe: {  	[smem:$0x3FB4] =	sst s6  }
0xf: {  	[smem:$0x3FB5] =	sst s7  }
0x10: {  	[smem:$0x3FB6] =	sst s8  }
0x11: {  	[smem:$0x3FB7] =	sst s9;
	s0 =	simm.s32 @!p0 $0x0  }
0x12: {  	s1 =	sld [smem:$0x3F9D];
	s0 =	simm.s32 @p0 $0x1  }
0x13: {  	[smem:$0x3FB8] =	sst s0;
	s0 =	simm.s32 @!p1 $0x0  }
0x14: {  	s2 =	sld [smem:$0x3F9C];
	s0 =	simm.s32 @p1 $0x1  }
0x15: {  	[smem:$0x3FB9] =	sst s0;
	s0 =	simm.s32 @!p2 $0x0  }
0x16: {  	s3 =	sld [smem:$0x3FDB];
	s0 =	simm.s32 @p2 $0x1  }
0x17: {  	s4 =	simm.s32 $0x1BF5;
	[smem:$0x3FBB] =	sst s0  }
0x18: {  	s0 =	sld [smem:$0x3F9E];
	_ =	swait.ge [sflag:s4], $0x0  }
0x19: {  	s7 =	sld [smem:$0x3F9F]  }
0x1a: {  	s8 =	sadd.s32 $0xFFFFE003, lr  }
0x1b: {  	s9 =	sadd.s32 $0xFFFFFEF7, lr;
	s5 =	simm.s32 $0xFFFFFFFF;
	p2 =	slt.u32 s8, $0xFFFFF086  }
0x1c: {  	p1 =	slt.u32 s9, $0xF7A;
	s5 =	simm.s32 @!p2 $0x0  }
0x1d: {  	s5 =	simm.s32 @p1 $0x1;
	p0 =	seq.s32 s7, s2  }
0x1e: {  	s7 =	smul.u32 @!p0 $0xF7A, s2;
	p2 =	seq.s32 @!p0 s5, $0x0  }
0x1f: {  	s9 =	smul.u32 $0xF7A, s1;
	s8 =	simm.s32 @!p0 $0x1BF5;
	p2 =	por !p2, p0  }
0x20: {  	[sflag:s8] =	ssyncset.s32 @!p0 $0xFFFFF086;
	s6 =	sadd.s32 @!p0 s3, s7;
	s7 =	simm.s32 @!p0 $0x108  }
0x21: {  	s3 =	sadd.s32 s3, s9;
	s6 =	sadd.s32 @!p0 $0x88, s6;
	s7 =	simm.s32 @p2 $0x1082  }
0x22: {  	[simem:s7], [sflag:s8] =	dma.local @!p0 [hbm:s6], $0xF7A  }
0x23: {  	s9 =	sor.u32 $0xD0000000, s2;
	s6 =	simm.s32 $0x108;
	_ =	swait.ge @!p0 [sflag:s8], $0x0  }
0x24: {  	s3 =	sadd.s32 $0x88, s3;
	s6 =	simm.s32 @!p1 $0x1082;
	[sflag:s4] =	ssyncset.s32 $0xFFFFF086  }
0x25: {  	[simem:s6], [sflag:s4] =	dma.local [hbm:s3], $0xF7A  }
0x26: {  	[smem:$0x3F9F] =	sst s1;
	(tag) =	ssettag s2;
	_ =	strace s9  }
0x27: {  	s1 =	sld [smem:$0x3FAF]  }
0x28: {  	s2 =	sld [smem:$0x3FB0]  }
0x29: {  	s4 =	sld [smem:$0x3FB2]  }
0x2a: {  	p0 =	seq.s32 s5, $0x0;
	s5 =	sld [smem:$0x3FB3]  }
0x2b: {  	s6 =	sld [smem:$0x3FB4]  }
0x2c: {  	s7 =	sld [smem:$0x3FB5]  }
0x2d: {  	s3 =	simm.s32 $0x108;
	s8 =	sld [smem:$0x3FB6]  }
0x2e: {  	s3 =	simm.s32 @!p0 $0x1082;
	s9 =	sld [smem:$0x3FB7]  }
0x2f: {  	lr =	sadd.s32 s0, s3;
	s0 =	sld [smem:$0x3FAE]  }
0x30: {  	s3 =	sld [smem:$0x3FB1]  }
0x31: {  	[smem:$0x3FBA] =	sst s10  }
0x32: {  	s10 =	sld [smem:$0x3FB8];
	_ =	sdelay $0x3  }
0x33: {  	p0 =	seq.s32 s10, $0x1;
	s10 =	sld [smem:$0x3FBA];
	_ =	sdelay $0x3  }
0x34: {  	[smem:$0x3FBA] =	sst s10  }
0x35: {  	s10 =	sld [smem:$0x3FB9];
	_ =	sdelay $0x3  }
0x36: {  	p1 =	seq.s32 s10, $0x1;
	s10 =	sld [smem:$0x3FBA];
	_ =	sdelay $0x3  }
0x37: {  	[smem:$0x3FBA] =	sst s10  }
0x38: {  	s10 =	sld [smem:$0x3FBB]  }
0x39: {  	_ = 	snop;
	(pc) =	sbr.ind lr, $3  }
0x3a: {  	_ = 	snop  }
0x3b: {  	_ = 	snop  }
0x3c: {  	p2 =	seq.s32 s10, $0x1;
	s10 =	sld [smem:$0x3FBA]  }
0x3d: {  	_ =	shalt  }
0x3e: {  	_ =	shalt  }
0x3f: {  	_ =	shalt  }
0x40: {  	_ =	shalt  }
0x41: {  	_ =	shalt  }
0x42: {  	_ =	shalt  }
0x43: {  	_ =	shalt  }
0x44: {  	_ =	shalt  }
0x45: {  	_ =	shalt  }
0x46: {  	_ =	shalt  }
0x47: {  	_ =	shalt  }
0x48: {  	_ =	shalt  }
0x49: {  	_ =	shalt  }
0x4a: {  	_ =	shalt  }
0x4b: {  	_ =	shalt  }
0x4c: {  	_ =	shalt  }
0x4d: {  	_ =	shalt  }
0x4e: {  	_ =	shalt  }
0x4f: {  	_ =	shalt  }
0x50: {  	_ =	shalt  }
0x51: {  	_ =	shalt  }
0x52: {  	_ =	shalt  }
0x53: {  	_ =	shalt  }
0x54: {  	_ =	shalt  }
0x55: {  	_ =	shalt  }
0x56: {  	_ =	shalt  }
0x57: {  	_ =	shalt  }
0x58: {  	_ =	shalt  }
0x59: {  	_ =	shalt  }
0x5a: {  	_ =	shalt  }
0x5b: {  	_ =	shalt  }
0x5c: {  	_ =	shalt  }
0x5d: {  	_ =	shalt  }
0x5e: {  	_ =	shalt  }
0x5f: {  	_ =	shalt  }
0x60: {  	_ =	shalt  }
0x61: {  	_ =	shalt  }
0x62: {  	_ =	shalt  }
0x63: {  	_ =	shalt  }
0x64: {  	_ =	shalt  }
0x65: {  	_ =	shalt  }
0x66: {  	_ =	shalt  }
0x67: {  	_ =	shalt  }
0x68: {  	_ =	shalt  }
0x69: {  	_ =	shalt  }
0x6a: {  	_ =	shalt  }
0x6b: {  	_ =	shalt  }
0x6c: {  	_ =	shalt  }
0x6d: {  	_ =	shalt  }
0x6e: {  	_ =	shalt  }
0x6f: {  	_ =	shalt  }
0x70: {  	_ =	shalt  }
0x71: {  	_ =	shalt  }
0x72: {  	_ =	shalt  }
0x73: {  	_ =	shalt  }
0x74: {  	_ =	shalt  }
0x75: {  	_ =	shalt  }
0x76: {  	_ =	shalt  }
0x77: {  	_ =	shalt  }
0x78: {  	_ =	shalt  }
0x79: {  	_ =	shalt  }
0x7a: {  	_ =	shalt  }
0x7b: {  	_ =	shalt  }
0x7c: {  	_ =	shalt  }
0x7d: {  	_ =	shalt  }
0x7e: {  	_ =	shalt  }
0x7f: {  	_ =	shalt  }
0x80: {  	_ =	shalt  }
0x81: {  	_ =	shalt  }
0x82: {  	_ =	shalt  }
0x83: {  	_ =	shalt  }
0x84: {  	_ =	shalt  }
0x85: {  	_ =	shalt  }
0x86: {  	_ =	shalt  }
0x87: {  	_ =	shalt  }
.Lfunc_end0:
.L_simem_size_0:
called_computation_lowered:
.L_overlay_start_0:
0x88: {  	s2 =	sld [smem:$0x3FD9]  }
0x89: {  	s3 =	sld [smem:$0x3FFE];
	_ =	sdelay $0x1  }
0x8a: {  	s1 =	srdreg.scid  }
0x8b: {  	s0 =	sand.u32 $0x1, s1  }
0x8c: {  	s15 =	sshll.u32 s0, $0xA;
	s2 =	sadd.s32 s3, s2  }
0x8d: {  	s2 =	sadd.s32 s2, s15  }
0x8e: {  	[smem:$0x3FC6] =	sst s2  }
0x8f: {  	_ = 	snop  }
0x90: {  	s2 =	sld [smem:$0x3FD0];
	_ =	sdelay $0x1  }
0x91: {  	s16 =	sld [smem:$0x3FC9]  }
0x92: {  	s5 =	simm.s32 $0xA;
	s6 =	simm.s32 $0x10;
	s4 =	sld [smem:$0x3FC8]  }
0x93: {  	[smem:s6], [sflag:s5] =	dma.local [hbm:s2], $0x1  }
0x94: {  	_ =	swait.eq [sflag:s5], $0x1  }
0x95: {  	[sflag:s5] =	ssyncset.done $0x0  }
0x96: {  	[sflag:s5] =	ssyncadd.s32 $0xFFFFFFFF  }
0x97: {  	s17 =	sld [smem:$0x10];
	(tm) =	ssettm $0x1  }
0x98: {  	s18 =	sld [smem:$0x3FFB];
	_ =	sdelay $0x3  }
0x99: {  	_ =	strace s18  }
0x9a: {  	s5 =	sld [smem:$0x3FFC];
	_ =	sdelay $0x3  }
0x9b: {  	_ =	strace s5  }
0x9c: {  	s5 =	sld [smem:$0x3FFD];
	_ =	sdelay $0x3  }
0x9d: {  	_ =	strace s5  }
0x9e: {  	_ =	strace $0x8FFFFFFF  }
0x9f: {  	s19 =	sld [smem:$0x3FDB];
	_ =	sdelay $0x1  }
0xa0: {  	s20 =	simm.s32 $_scs_section_size  }
0xa1: {  	s7 =	simm.s32 $_size__tile_overlayer_lowered;
	s8 =	simm.s32 $_tile_overlayer_lowered  }
0xa2: {  	s23 =	simm.s32 $0x1BFF;
	s22 =	sshll.u32 s8, $0x1;
	s5 =	sadd.s32 s20, s19  }
0xa3: {  	s9 =	simm.s32 $0x0;
	s21 =	sshll.u32 s7, $0x1;
	s7 =	sadd.s32 s22, s5  }
0xa4: {  	[timem:s9], [sflag:s23] =	dma.local [hbm:s7], s21  }
0xa5: {  	_ =	swait.ge [sflag:s23], s21  }
0xa6: {  	s6 =	ssub.s32 $0x0, s21;
	[sflag:s23] =	ssyncset.done $0x0  }
0xa7: {  	[sflag:s23] =	ssyncadd.s32 s6;
	_ =	sdelay $0x1  }
0xa8: {  	s24 =	simm.s32 $0x1B8B  }
0xa9: {  	_ =	swait.ge [sflag:s24], $0x1  }
0xaa: {  	[sflag:s24] =	ssyncset.done $0x0  }
0xab: {  	s25 =	simm.s32 $0x1B8E;
	[sflag:s24] =	ssyncadd.s32 $0xFFFFFFFF  }
0xac: {  	s26 =	simm.s32 $execute0_lowered;
	[smem:$0x3FD2] =	sst s25  }
0xad: {  	s6 =	sshll.u32 s26, $0x1;
	_ =	strace $0x80000046;
	[dreg:$0x1] =	wrdreg $0xFFFFFFFF  }
0xae: {  	s28 =	simm.s32 $_size_execute0_lowered;
	s5 =	sadd.s32 s5, s6;
	[dreg:$0x0] =	wrdreg $0x0  }
0xaf: {  	s6 =	sshll.u32 s28, $0x1;
	[dreg:$0x2] =	wrdreg s5  }
0xb0: {  	[dreg:$0x3] =	wrdreg s6  }
0xb1: {  	[dreg:$0x4] =	wrdreg $0xC0  }
0xb2: {  	_ =	task [dreg:s9], $0x5FFFF  }
0xb3: {  	[dreg:$0x1] =	wrdreg $0xFFFFFFFF  }
0xb4: {  	[dreg:$0x0] =	wrdreg $0x60  }
0xb5: {  	[dreg:$0x2] =	wrdreg s16  }
0xb6: {  	[dreg:$0x3] =	wrdreg s4  }
0xb7: {  	[dreg:$0x4] =	wrdreg s17  }
0xb8: {  	[dreg:$0x5] =	wrdreg $0x9  }
0xb9: {  	_ =	task.clear_ibuf [dreg:s9], $0x6FFFF;
	_ =	strace $0x90000046  }
0xba: {  	s29 =	simm.s32 $0x9;
	_ =	strace $0x80000048  }
0xbb: {  	_ =	swait.ge [sflag:s29], $0x1  }
0xbc: {  	[sflag:s29] =	ssyncadd.s32 $0xFFFFFFFF  }
0xbd: {  	_ =	strace $0x90000048  }
0xbe: {  	_ =	sfence  }
0xbf: {  	s30 =	sld [smem:$0x0];
	_ =	sdelay $0x2  }
0xc0: {  	s31 =	sshll.u32 s1, $0xD;
	s1 =	sshrl.u32 s1, $0x2  }
0xc1: {  	s3 =	sand.u32 $0x4000, s31;
	s1 =	sadd.s32 s1, s30  }
0xc2: {  	s0 =	sor.u32 s3, s0;
	s1 =	sshll.u32 s1, $0x11  }
0xc3: {  	s0 =	sor.u32 s1, s0  }
0xc4: {  	s0 =	sadd.s32 $0x8F2B, s0  }
0xc5: {  	[sflag:s0] =	ssyncadd.remote.s32 $0x1  }
0xc6: {  	_ =	sfence.sel $0xFFFF  }
0xc7: {  	[dreg:$0x0] =	wrdreg $0xFFFFFFFF;
	(pc) =	sbr.abs _section_cstart, $3  }
0xc8: {  	[dreg:$0x1] =	wrdreg $0xFFFFFFFF  }
0xc9: {  	_ =	task.clear_ibuf [dreg:s9], $0x2FFFF;
	_ =	strace $0x9FFFFFFF  }
0xca: {  	(tm) =	ssettm $0x7FFFFFFF  }
0xcb: {  	_ =	shalt  }
tec
execute0_lowered:
.L_overlay_start_1:
0x0: {  	(tag) =	ssettag $0x1  }
0x1: {  	s1 =	rddreg [dreg:$0x0]  }
0x2: {  	s2 =	srdreg.scid;
	s3 =	rddreg [dreg:$0x1]  }
0x3: {  	s0 =	stileid.u32;
	s4 =	rddreg [dreg:$0x2]  }
0x4: {  	s5 =	simm.s32 $0x0;
	s13 =	simm.s32 $0x5;
	s14 =	simm.s32 $0x1000  }
0x5: {  	s15 =	simm.s32 $0x9000;
	s16 =	simm.s32 $0x1;
	s17 =	simm.s32 $0x200  }
0x6: {  	s18 =	simm.s32 $0x400;
	s19 =	simm.s32 $0x11000;
	s20 =	simm.s32 $0x15000  }
0x7: {  	s21 =	simm.s32 $0x2;
	s22 =	simm.s32 $0x3;
	s23 =	simm.s32 $0x4  }
0x8: {  	s24 =	simm.s32 $0x0;
	s2 =	sand.u32 $0x1, s2;
	s6 =	sshll.u32 s0, $0xA  }
.Ltmp0:
0x9: {  	[smem:$0x7FF] =	sst s5;
	s7 =	sshll.u32 s2, $0x9;
	(pc) =	sbr.rel .LBB2_1-.Ltmp0, $4  }
0xa: {  	s9 =	sadd.s32 $0x40, s4;
	s2 =	ssub.s32 $0x2, s2;
	s6 =	sor.u32 s7, s6  }
0xb: {  	_ =	strace $0x80000047;
	s8 =	sshrl.u32 s2, $0x1;
	s7 =	sshll.u32 s6, $0x9  }
0xc: {  	s2 =	ssub.s32 s2, s8;
	s10 =	sor.u32 $0x10, s6;
	s7 =	sadd.s32 s1, s7  }
0xd: {  	s11 =	sor.u32 $0x18, s6;
	s12 =	smax.u32 s2, $0x1;
	s8 =	sadd.s32 $0x1000, s7  }
.LBB2_12:
0xe: {  	s24 =	sadd.s32 $0x1, s24  }
0xf: {  	_ =	swait.ge [sflag:s22], $0x4000;
	p0 =	sne.s32 s24, s12  }
.Ltmp1:
0x10: {  	[sflag:s22] =	ssyncset.done $0x0;
	(pc) =	sbr.rel @!p0 .LBB2_13-.Ltmp1, $4  }
0x11: {  	[sflag:s22] =	ssyncadd.s32 $0xFFFFC000  }
0x12: {  	_ =	swait.ge [sflag:s23], $0x4000  }
0x13: {  	[sflag:s23] =	ssyncset.done $0x0  }
0x14: {  	[sflag:s23] =	ssyncadd.s32 $0xFFFFC000  }
.LBB2_1:
0x15: {  	[tilespmem:s5], [sflag:$0x5] =	stream.linear.gather [hbm4b:s3+s5], $0x1000, $0x38;
	[tilespmem:$0x19000] =	vst v63  }
0x16: {  	_ =	swait.ge [sflag:s13], $0x1000  }
0x17: {  	[sflag:s13] =	ssyncset.done $0x0  }
0x18: {  	[sflag:s13] =	ssyncadd.s32 $0xFFFFF000  }
0x19: {  	[tilespmem:s14], [sflag:$0x1] =	stream.linear.gather [hbm4b:s7+s5], $0x8000, $0x38;
	[tilespmem:$0x19000] =	vst v63  }
0x1a: {  	s25 =	simm.s32 $0x0  }
0x1b: {  	[tilespmem:s15], [sflag:$0x2] =	stream.linear.gather [hbm4b:s8+s5], $0x8000, $0x38;
	[tilespmem:$0x19000] =	vst v63  }
.LBB2_2:
0x1c: {  	_ =	swait.ge [sflag:s16], $0x8000  }
0x1d: {  	p0 =	seq.s32 s25, $0x0;
	[sflag:s16] =	ssyncset.done $0x0  }
0x1e: {  	s2 =	simm.s32 @!p0 $0x3;
	[sflag:s16] =	ssyncadd.s32 $0xFFFF8000  }
0x1f: {  	_ =	swait.ge @!p0 [sflag:s2], $0x4000  }
0x20: {  	[sflag:s2] =	ssyncset.done @!p0 $0x0  }
0x21: {  	s26 =	simm.s32 $0x40;
	[sflag:s2] =	ssyncadd.s32 @!p0 $0xFFFFC000  }
0x22: {  	v0 =	vld [tilespmem:s26+$0xFFFFFFC0]  }
0x23: {  	v1 =	vld [tilespmem:s26+$0x10]  }
0x24: {  	v3 =	vld [tilespmem:s26+$0xFFFFFFE0]  }
0x25: {  	v2 =	vld [tilespmem:s26+$0x0];
	_ =	sdelay $0x1  }
0x26: {  	v6 =	vld [tilespmem:s26+$0x20]  }
0x27: {  	v7 =	vld [tilespmem:s26+$0xFFFFFFF0];
	v4 =	vshll.u32 v0, $0x3;
	v0 =	vand.u32 $0x7F, v0;
	v5 =	vshll.u32 v1, $0x3  }
0x28: {  	v1 =	vand.u32 $0x7F, v1;
	v9 =	vshll.u32 v3, $0x3;
	v4 =	vand.u32 $0xFFFFFC00, v4  }
0x29: {  	v8 =	vld [tilespmem:s26+$0xFFFFFFD0];
	v3 =	vand.u32 $0x7F, v3;
	v4 =	vor.u32 v0, v4;
	v0 =	vshll.u32 v2, $0x3  }
0x2a: {  	v5 =	vand.u32 $0xFFFFFC00, v5;
	v2 =	vand.u32 $0x7F, v2;
	v0 =	vand.u32 $0xFFFFFC00, v0  }
0x2b: {  	v5 =	vor.u32 v1, v5;
	v0 =	vor.u32 v2, v0;
	v2 =	vand.u32 $0xFFFFFC00, v9;
	v9 =	vld [tilespmem:s26+$0x30]  }
0x2c: {  	v11 =	vand.u32 $0x7F, v7;
	v2 =	vor.u32 v3, v2;
	v3 =	vshll.u32 v6, $0x3  }
0x2d: {  	v1 =	vand.u32 $0x7F, v6;
	v13 =	vor.u32 $0x80, v4;
	v3 =	vand.u32 $0xFFFFFC00, v3  }
0x2e: {  	v6 =	vshll.u32 v7, $0x3;
	v10 =	vld.idx.msk [tilespmem:v4+s14+$0x0], $0xffff;
	v1 =	vor.u32 v1, v3;
	v3 =	vshll.u32 v8, $0x3  }
0x2f: {  	v6 =	vand.u32 $0xFFFFFC00, v6;
	v8 =	vand.u32 $0x7F, v8;
	v3 =	vand.u32 $0xFFFFFC00, v3  }
0x30: {  	v6 =	vor.u32 v11, v6;
	v17 =	vld.idx.msk [tilespmem:v5+s14+$0x0], $0xffff;
	v7 =	vor.u32 v8, v3;
	v3 =	vshll.u32 v9, $0x3  }
0x31: {  	v12 =	vld.idx.msk [tilespmem:v0+s14+$0x0], $0xffff;
	v8 =	vand.u32 $0x7F, v9;
	v3 =	vand.u32 $0xFFFFFC00, v3  }
0x32: {  	s29 =	simm.s32 $0x11100;
	v11 =	vld.idx.msk [tilespmem:v2+s14+$0x0], $0xffff;
	v3 =	vor.u32 v8, v3  }
0x33: {  	v20 =	vor.u32 $0x80, v0;
	[tilespmem:s29+$0xFFFFFF00] =	vst v10;
	v9 =	vld.idx.msk [tilespmem:v1+s14+$0x0], $0xffff  }
0x34: {  	v18 =	vld.idx.msk [tilespmem:v13+s14+$0x0], $0xffff;
	v13 =	vor.u32 $0x80, v5  }
0x35: {  	s30 =	simm.s32 $0xC0;
	s26 =	sshll.u32 s25, $0x4;
	v15 =	vor.u32 $0x80, v2;
	v16 =	vld.idx.msk [tilespmem:v6+s14+$0x0], $0xffff  }
0x36: {  	s31 =	simm.s32 $0x11100;
	s2 =	simm.s32 $0x0;
	s28 =	sor.u32 s6, s26;
	v14 =	vor.u32 $0x80, v7;
	v8 =	vor.u32 $0x80, v3;
	v10 =	vor.u32 $0x80, v1;
	v19 =	vld.idx.msk [tilespmem:v7+s14+$0x0], $0xffff  }
.LBB2_3:
0x37: {  	s2 =	sadd.s32 $0x80, s2;
	[tilespmem:s29+$0xFFFFFF40] =	vst v12;
	v12 =	vld.idx.msk [tilespmem:v3+s14+$0x0], $0xffff;
	s31 =	sadd.s32 $0x200, s31  }
0x38: {  	p1 =	slt.u32 s2, $0xF80;
	v20 =	vld.idx.msk [tilespmem:v20+s14+$0x0], $0xffff;
	[tilespmem:s29+$0xFFFFFF50] =	vst v17  }
0x39: {  	v17 =	vor.u32 $0x100, v4;
	v13 =	vld.idx.msk [tilespmem:v13+s14+$0x0], $0xffff  }
0x3a: {  	v21 =	vld [tilespmem:s30+$0x10];
	[tilespmem:s29+$0xFFFFFF80] =	vst v18  }
0x3b: {  	v18 =	vld [tilespmem:s30+$0xFFFFFFE0];
	[tilespmem:s29+$0xFFFFFF10] =	vst v19;
	v19 =	vor.u32 $0x80, v6  }
0x3c: {  	v14 =	vld.idx.msk [tilespmem:v14+s14+$0x0], $0xffff;
	[tilespmem:s29+$0xFFFFFF20] =	vst v11  }
0x3d: {  	v11 =	vld.idx.msk [tilespmem:v15+s14+$0x0], $0xffff;
	[tilespmem:s29+$0xFFFFFF70] =	vst v12  }
0x3e: {  	v12 =	vld.idx.msk [tilespmem:v17+s14+$0x0], $0xffff;
	[tilespmem:s29+$0xFFFFFFC0] =	vst v20  }
0x3f: {  	v15 =	vld [tilespmem:s30+$0xFFFFFFF0];
	[tilespmem:s29+$0xFFFFFF30] =	vst v16  }
0x40: {  	v16 =	vld.idx.msk [tilespmem:v19+s14+$0x0], $0xffff;
	[tilespmem:s29+$0xFFFFFFD0] =	vst v13  }
0x41: {  	v13 =	vld [tilespmem:s30+$0xFFFFFFC0];
	[tilespmem:s29+$0xFFFFFF60] =	vst v9  }
0x42: {  	[tilespmem:s29+$0xFFFFFF90] =	vst v14;
	v8 =	vld.idx.msk [tilespmem:v8+s14+$0x0], $0xffff  }
0x43: {  	v9 =	vld [tilespmem:s30+$0x20];
	[tilespmem:s29+$0xFFFFFFA0] =	vst v11;
	v11 =	vor.u32 $0x100, v5  }
0x44: {  	v14 =	vld [tilespmem:s30+$0x30];
	[tilespmem:s29+$0x0] =	vst v12;
	v12 =	vor.u32 $0x100, v7  }
0x45: {  	v19 =	vor.u32 $0x100, v6;
	v17 =	vld [tilespmem:s30+$0xFFFFFFD0]  }
0x46: {  	v20 =	vor.u32 $0x180, v4;
	[tilespmem:s29+$0xFFFFFFB0] =	vst v16;
	v10 =	vld.idx.msk [tilespmem:v10+s14+$0x0], $0xffff  }
0x47: {  	v22 =	vor.u32 $0x100, v2;
	v23 =	vor.u32 $0x180, v5;
	v5 =	vor.u32 $0x100, v1;
	v16 =	vld [tilespmem:s30+$0x0]  }
0x48: {  	v24 =	vor.u32 $0x100, v0;
	v4 =	vshll.u32 v13, $0x3;
	v11 =	vld.idx.msk [tilespmem:v11+s14+$0x0], $0xffff;
	[tilespmem:s29+$0xFFFFFFF0] =	vst v8;
	v8 =	vor.u32 $0x100, v3  }
0x49: {  	v4 =	vand.u32 $0xFFFFFC00, v4;
	v25 =	vand.u32 $0x7F, v14;
	v14 =	vshll.u32 v14, $0x3;
	v12 =	vld.idx.msk [tilespmem:v12+s14+$0x0], $0xffff  }
0x4a: {  	v6 =	vor.u32 $0x180, v6;
	v13 =	vand.u32 $0x7F, v13;
	v14 =	vand.u32 $0xFFFFFC00, v14;
	v19 =	vld.idx.msk [tilespmem:v19+s14+$0x0], $0xffff  }
0x4b: {  	v7 =	vor.u32 $0x180, v7;
	v4 =	vor.u32 v13, v4;
	v13 =	vshll.u32 v21, $0x3;
	v20 =	vld.idx.msk [tilespmem:v20+s14+$0x0], $0xffff  }
0x4c: {  	v26 =	vshll.u32 v15, $0x3;
	v14 =	vor.u32 v25, v14;
	v27 =	vshll.u32 v16, $0x3;
	v22 =	vld.idx.msk [tilespmem:v22+s14+$0x0], $0xffff;
	[tilespmem:s29+$0xFFFFFFE0] =	vst v10  }
0x4d: {  	v21 =	vand.u32 $0x7F, v21;
	v10 =	vand.u32 $0xFFFFFC00, v26;
	v16 =	vand.u32 $0x7F, v16;
	v25 =	vld.idx.msk [tilespmem:v5+s14+$0x0], $0xffff  }
0x4e: {  	v13 =	vand.u32 $0xFFFFFC00, v13;
	v26 =	vor.u32 $0x180, v2;
	v5 =	vand.u32 $0xFFFFFC00, v27;
	[tilespmem:s29+$0x50] =	vst v11;
	v8 =	vld.idx.msk [tilespmem:v8+s14+$0x0], $0xffff  }
0x4f: {  	v2 =	vshll.u32 v18, $0x3;
	v11 =	vor.u32 v16, v5;
	v5 =	vor.u32 v21, v13;
	[tilespmem:s29+$0x10] =	vst v12;
	v12 =	vld.idx.msk [tilespmem:v24+s14+$0x0], $0xffff  }
0x50: {  	v2 =	vand.u32 $0xFFFFFC00, v2;
	v13 =	vor.u32 $0x180, v3;
	v3 =	vmov v14;
	v7 =	vld.idx.msk [tilespmem:v7+s14+$0x0], $0xffff;
	[tilespmem:s29+$0x30] =	vst v19  }
0x51: {  	v14 =	vand.u32 $0x7F, v18;
	v18 =	vor.u32 $0x180, v0;
	v0 =	vmovc v11;
	v19 =	vor.u32 $0x180, v1;
	[tilespmem:s29+$0x80] =	vst v20;
	v16 =	vld.idx.msk [tilespmem:v6+s14+$0x0], $0xffff  }
0x52: {  	v21 =	vor.u32 $0x80, v4;
	v2 =	vor.u32 v14, v2;
	v1 =	vand.u32 $0x7F, v15;
	[tilespmem:s29+$0x20] =	vst v22;
	v11 =	vld.idx.msk [tilespmem:v23+s14+$0x0], $0xffff  }
0x53: {  	v6 =	vor.u32 v1, v10;
	v1 =	vshll.u32 v9, $0x3;
	v10 =	vld.idx.msk [tilespmem:v26+s14+$0x0], $0xffff;
	[tilespmem:s29+$0x60] =	vst v25  }
0x54: {  	v9 =	vand.u32 $0x7F, v9;
	v1 =	vand.u32 $0xFFFFFC00, v1;
	v15 =	vld.idx.msk [tilespmem:v4+s14+$0x0], $0xffff;
	[tilespmem:s29+$0x70] =	vst v8  }
0x55: {  	v1 =	vor.u32 v9, v1;
	[tilespmem:s29+$0x40] =	vst v12;
	v22 =	vld.idx.msk [tilespmem:v13+s14+$0x0], $0xffff  }
0x56: {  	v8 =	vshll.u32 v17, $0x3;
	v13 =	vor.u32 $0x80, v5;
	v12 =	vld.idx.msk [tilespmem:v0+s14+$0x0], $0xffff;
	[tilespmem:s29+$0x90] =	vst v7  }
0x57: {  	v9 =	vand.u32 $0xFFFFFC00, v8;
	v8 =	vor.u32 $0x80, v3;
	v7 =	vand.u32 $0x7F, v17;
	[tilespmem:s29+$0xB0] =	vst v16;
	v16 =	vld.idx.msk [tilespmem:v18+s14+$0x0], $0xffff  }
0x58: {  	v7 =	vor.u32 v7, v9;
	[tilespmem:s29+$0xD0] =	vst v11;
	v23 =	vld.idx.msk [tilespmem:v19+s14+$0x0], $0xffff  }
0x59: {  	v14 =	vor.u32 $0x80, v7;
	v11 =	vld.idx.msk [tilespmem:v2+s14+$0x0], $0xffff  }
.Ltmp2:
0x5a: {  	[tilespmem:s31+$0xFFFFFF00] =	vst v15;
	v15 =	vor.u32 $0x80, v2;
	v17 =	vld.idx.msk [tilespmem:v5+s14+$0x0], $0xffff;
	(pc) =	sbr.rel @p1 .LBB2_3-.Ltmp2, $4  }
0x5b: {  	v20 =	vor.u32 $0x80, v0;
	v9 =	vld.idx.msk [tilespmem:v1+s14+$0x0], $0xffff;
	[tilespmem:s29+$0xF0] =	vst v22  }
0x5c: {  	v18 =	vld.idx.msk [tilespmem:v21+s14+$0x0], $0xffff;
	[tilespmem:s29+$0xA0] =	vst v10  }
0x5d: {  	v19 =	vld.idx.msk [tilespmem:v7+s14+$0x0], $0xffff;
	[tilespmem:s29+$0xC0] =	vst v16  }
0x5e: {  	s30 =	sadd.s32 $0x80, s30;
	v10 =	vor.u32 $0x80, v1;
	v16 =	vld.idx.msk [tilespmem:v6+s14+$0x0], $0xffff;
	[tilespmem:s29+$0xE0] =	vst v23;
	s29 =	smov.u32 s31  }
0x5f: {  	_ =	sdelay $0x2  }
0x60: {  	[tilespmem:s29+$0xFFFFFF40] =	vst v12  }
0x61: {  	v12 =	vld.idx.msk [tilespmem:v3+s14+$0x0], $0xffff;
	[tilespmem:s29+$0xFFFFFF50] =	vst v17  }
0x62: {  	v43 =	vor.u32 $0x80, v6;
	[tilespmem:s29+$0xFFFFFF20] =	vst v11  }
0x63: {  	v44 =	vor.u32 $0x100, v4;
	v13 =	vld.idx.msk [tilespmem:v13+s14+$0x0], $0xffff;
	[tilespmem:s29+$0xFFFFFF60] =	vst v9  }
0x64: {  	v42 =	vld.idx.msk [tilespmem:v20+s14+$0x0], $0xffff;
	[tilespmem:s29+$0xFFFFFF10] =	vst v19  }
0x65: {  	v11 =	vld.idx.msk [tilespmem:v14+s14+$0x0], $0xffff;
	[tilespmem:s29+$0xFFFFFF30] =	vst v16  }
0x66: {  	v14 =	vor.u32 $0x100, v5;
	[tilespmem:s29+$0xFFFFFF70] =	vst v12;
	v12 =	vld.idx.msk [tilespmem:v15+s14+$0x0], $0xffff  }
0x67: {  	v45 =	vor.u32 $0x100, v7;
	[tilespmem:s29+$0xFFFFFF80] =	vst v18;
	v15 =	vld.idx.msk [tilespmem:v43+s14+$0x0], $0xffff  }
0x68: {  	v46 =	vld.idx.msk [tilespmem:v44+s14+$0x0], $0xffff;
	[tilespmem:s29+$0xFFFFFFD0] =	vst v13;
	v13 =	vor.u32 $0x100, v6  }
0x69: {  	v4 =	vor.u32 $0x180, v4;
	v9 =	vld.idx.msk [tilespmem:v10+s14+$0x0], $0xffff;
	[tilespmem:s29+$0xFFFFFFC0] =	vst v42  }
0x6a: {  	v10 =	vor.u32 $0x100, v2;
	v8 =	vld.idx.msk [tilespmem:v8+s14+$0x0], $0xffff;
	[tilespmem:s29+$0xFFFFFF90] =	vst v11  }
0x6b: {  	v11 =	vld.idx.msk [tilespmem:v14+s14+$0x0], $0xffff;
	v14 =	vor.u32 $0x100, v1;
	[tilespmem:s29+$0xFFFFFFA0] =	vst v12  }
0x6c: {  	v47 =	vor.u32 $0x100, v0;
	[tilespmem:s29+$0xFFFFFFB0] =	vst v15;
	v15 =	vld.idx.msk [tilespmem:v45+s14+$0x0], $0xffff  }
0x6d: {  	v12 =	vor.u32 $0x100, v3;
	[tilespmem:s29+$0x0] =	vst v46;
	v13 =	vld.idx.msk [tilespmem:v13+s14+$0x0], $0xffff  }
0x6e: {  	v5 =	vor.u32 $0x180, v5;
	[tilespmem:s29+$0xFFFFFFE0] =	vst v9;
	v4 =	vld.idx.msk [tilespmem:v4+s14+$0x0], $0xffff  }
0x6f: {  	v7 =	vor.u32 $0x180, v7;
	[tilespmem:s29+$0xFFFFFFF0] =	vst v8;
	v8 =	vld.idx.msk [tilespmem:v10+s14+$0x0], $0xffff  }
0x70: {  	v6 =	vor.u32 $0x180, v6;
	[tilespmem:s29+$0x50] =	vst v11;
	v10 =	vld.idx.msk [tilespmem:v14+s14+$0x0], $0xffff  }
0x71: {  	v2 =	vor.u32 $0x180, v2;
	v11 =	vld.idx.msk [tilespmem:v47+s14+$0x0], $0xffff;
	[tilespmem:s29+$0x10] =	vst v15  }
0x72: {  	v0 =	vor.u32 $0x180, v0;
	v9 =	vld.idx.msk [tilespmem:v12+s14+$0x0], $0xffff;
	[tilespmem:s29+$0x30] =	vst v13  }
0x73: {  	v1 =	vor.u32 $0x180, v1;
	v5 =	vld.idx.msk [tilespmem:v5+s14+$0x0], $0xffff;
	[tilespmem:s29+$0x80] =	vst v4  }
0x74: {  	v3 =	vor.u32 $0x180, v3;
	v7 =	vld.idx.msk [tilespmem:v7+s14+$0x0], $0xffff;
	[tilespmem:s29+$0x20] =	vst v8  }
0x75: {  	v4 =	vld.idx.msk [tilespmem:v6+s14+$0x0], $0xffff;
	[tilespmem:s29+$0x60] =	vst v10  }
0x76: {  	v2 =	vld.idx.msk [tilespmem:v2+s14+$0x0], $0xffff;
	[tilespmem:s29+$0x40] =	vst v11  }
0x77: {  	[tilespmem:s29+$0x70] =	vst v9;
	v0 =	vld.idx.msk [tilespmem:v0+s14+$0x0], $0xffff  }
0x78: {  	v1 =	vld.idx.msk [tilespmem:v1+s14+$0x0], $0xffff;
	[tilespmem:s29+$0xD0] =	vst v5  }
0x79: {  	v3 =	vld.idx.msk [tilespmem:v3+s14+$0x0], $0xffff;
	[tilespmem:s29+$0x90] =	vst v7  }
0x7a: {  	[tilespmem:s29+$0xB0] =	vst v4  }
0x7b: {  	[tilespmem:s29+$0xA0] =	vst v2  }
0x7c: {  	[tilespmem:s29+$0xC0] =	vst v0  }
0x7d: {  	s28 =	sshll.u32 s28, $0x9;
	[tilespmem:s29+$0xE0] =	vst v1  }
0x7e: {  	s2 =	sadd.s32 s4, s28;
	[tilespmem:s29+$0xF0] =	vst v3  }
0x7f: {  	[hbm4b:s2+s17] =	stream.strided.scatter [tilespmem:s19], [sflag:$0x3], $0x4000, s18, s17, $0x38;
	[tilespmem:$0x19000] =	vst v63  }
0x80: {  	s2 =	simm.s32 @!p0 $0x4  }
0x81: {  	_ =	swait.ge @!p0 [sflag:s2], $0x4000  }
0x82: {  	[sflag:s2] =	ssyncset.done @!p0 $0x0  }
0x83: {  	[sflag:s2] =	ssyncadd.s32 @!p0 $0xFFFFC000;
	s2 =	simm.s32 $0x40  }
0x84: {  	v0 =	vld [tilespmem:s2+$0x30];
	_ =	sdelay $0x3  }
0x85: {  	v2 =	vld [tilespmem:s2+$0xFFFFFFC0]  }
0x86: {  	v1 =	vshll.u32 v0, $0x3  }
0x87: {  	v0 =	vand.u32 $0x7F, v0;
	v1 =	vand.u32 $0xFFFFFC00, v1  }
0x88: {  	v1 =	vor.u32 v0, v1  }
0x89: {  	v0 =	vor.u32 $0x200, v1  }
0x8a: {  	v4 =	vshll.u32 v2, $0x3  }
0x8b: {  	v9 =	vld [tilespmem:s2+$0xFFFFFFF0];
	v2 =	vand.u32 $0x7F, v2;
	v4 =	vand.u32 $0xFFFFFC00, v4  }
0x8c: {  	v4 =	vor.u32 v2, v4;
	v2 =	vld [tilespmem:s2+$0x10]  }
0x8d: {  	v5 =	vld [tilespmem:s2+$0xFFFFFFD0]  }
0x8e: {  	v0 =	vld.idx.msk [tilespmem:v0+s14+$0x0], $0xffff  }
0x8f: {  	v3 =	vor.u32 $0x280, v1;
	_ =	sdelay $0x1  }
0x90: {  	v6 =	vld [tilespmem:s2+$0x0];
	v48 =	vand.u32 $0x7F, v9;
	v12 =	vshll.u32 v2, $0x3  }
0x91: {  	s29 =	simm.s32 $0x15100;
	v7 =	vld [tilespmem:s2+$0x20];
	v9 =	vshll.u32 v9, $0x3;
	v2 =	vand.u32 $0x7F, v2;
	v12 =	vand.u32 $0xFFFFFC00, v12  }
0x92: {  	v10 =	vld [tilespmem:s2+$0xFFFFFFE0];
	v49 =	vshll.u32 v5, $0x3;
	v12 =	vor.u32 v2, v12;
	[tilespmem:s29+$0xFFFFFF70] =	vst v0;
	v0 =	vor.u32 $0x200, v4  }
0x93: {  	s31 =	simm.s32 $0xC0;
	v5 =	vand.u32 $0x7F, v5;
	v9 =	vand.u32 $0xFFFFFC00, v9;
	v15 =	vor.u32 $0x200, v12;
	v3 =	vld.idx.msk [tilespmem:v3+s14+$0x0], $0xffff  }
0x94: {  	v51 =	vld [tilespmem:s31+$0x30];
	v17 =	vand.u32 $0xFFFFFC00, v49;
	v9 =	vor.u32 v48, v9;
	v8 =	vor.u32 $0x300, v1  }
0x95: {  	v22 =	vld [tilespmem:s31+$0xFFFFFFC0];
	v17 =	vor.u32 v5, v17;
	v5 =	vor.u32 $0x200, v9  }
0x96: {  	v14 =	vor.u32 $0x380, v1;
	v1 =	vld [tilespmem:s31+$0x0]  }
0x97: {  	v11 =	vld.idx.msk [tilespmem:v0+s14+$0x0], $0xffff  }
0x98: {  	v13 =	vor.u32 $0x280, v4;
	v15 =	vld.idx.msk [tilespmem:v15+s14+$0x0], $0xffff;
	[tilespmem:s29+$0xFFFFFFF0] =	vst v3;
	v3 =	vshll.u32 v7, $0x3  }
0x99: {  	v21 =	vor.u32 $0x280, v12;
	v7 =	vand.u32 $0x7F, v7;
	v8 =	vld.idx.msk [tilespmem:v8+s14+$0x0], $0xffff;
	v3 =	vand.u32 $0xFFFFFC00, v3  }
0x9a: {  	v5 =	vld.idx.msk [tilespmem:v5+s14+$0x0], $0xffff;
	v7 =	vor.u32 v7, v3  }
0x9b: {  	v2 =	vld [tilespmem:s31+$0x10];
	v50 =	vor.u32 $0x200, v7  }
0x9c: {  	v0 =	vld [tilespmem:s31+$0xFFFFFFD0];
	[tilespmem:s29+$0xFFFFFF00] =	vst v11;
	v11 =	vshll.u32 v6, $0x3  }
0x9d: {  	v52 =	vor.u32 $0x200, v17;
	[tilespmem:s29+$0xFFFFFF50] =	vst v15;
	v6 =	vand.u32 $0x7F, v6;
	v13 =	vld.idx.msk [tilespmem:v13+s14+$0x0], $0xffff;
	v11 =	vand.u32 $0xFFFFFC00, v11  }
0x9e: {  	v21 =	vld.idx.msk [tilespmem:v21+s14+$0x0], $0xffff;
	[tilespmem:s29+$0x70] =	vst v8;
	v6 =	vor.u32 v6, v11;
	v8 =	vor.u32 $0x300, v4  }
0x9f: {  	v11 =	vld.idx.msk [tilespmem:v14+s14+$0x0], $0xffff;
	v14 =	vshll.u32 v10, $0x3;
	v53 =	vor.u32 $0x200, v6  }
0xa0: {  	v55 =	vor.u32 $0x300, v12;
	v10 =	vand.u32 $0x7F, v10;
	v18 =	vld.idx.msk [tilespmem:v50+s14+$0x0], $0xffff;
	v14 =	vand.u32 $0xFFFFFC00, v14  }
0xa1: {  	v3 =	vld [tilespmem:s31+$0x20];
	v10 =	vor.u32 v10, v14;
	v14 =	vor.u32 $0x280, v7  }
0xa2: {  	v23 =	vor.u32 $0x200, v10;
	[tilespmem:s29+$0xFFFFFF80] =	vst v13;
	v13 =	vld.idx.msk [tilespmem:v52+s14+$0x0], $0xffff  }
0xa3: {  	v54 =	vor.u32 $0x280, v9;
	[tilespmem:s29+$0xFFFFFF30] =	vst v5;
	v8 =	vld.idx.msk [tilespmem:v8+s14+$0x0], $0xffff  }
0xa4: {  	v15 =	vor.u32 $0x280, v17;
	[tilespmem:s29+$0xFFFFFFD0] =	vst v21;
	v20 =	vld.idx.msk [tilespmem:v53+s14+$0x0], $0xffff  }
0xa5: {  	v4 =	vor.u32 $0x380, v4;
	[tilespmem:s29+$0xFFFFFF60] =	vst v18;
	v18 =	vld.idx.msk [tilespmem:v55+s14+$0x0], $0xffff  }
0xa6: {  	[tilespmem:s29+$0xF0] =	vst v11;
	v11 =	vor.u32 $0x280, v6;
	v14 =	vld.idx.msk [tilespmem:v14+s14+$0x0], $0xffff  }
0xa7: {  	v56 =	vor.u32 $0x300, v7;
	v23 =	vld.idx.msk [tilespmem:v23+s14+$0x0], $0xffff;
	[tilespmem:s29+$0xFFFFFF10] =	vst v13  }
0xa8: {  	v5 =	vshll.u32 v51, $0x3;
	v24 =	vor.u32 $0x280, v10;
	v13 =	vld.idx.msk [tilespmem:v54+s14+$0x0], $0xffff;
	[tilespmem:s29+$0x0] =	vst v8  }
0xa9: {  	v57 =	vor.u32 $0x300, v9;
	v5 =	vand.u32 $0xFFFFFC00, v5;
	v8 =	vld.idx.msk [tilespmem:v15+s14+$0x0], $0xffff;
	v15 =	vand.u32 $0x7F, v51;
	[tilespmem:s29+$0xFFFFFF40] =	vst v20  }
0xaa: {  	v4 =	vld.idx.msk [tilespmem:v4+s14+$0x0], $0xffff;
	v5 =	vor.u32 v15, v5;
	v15 =	vor.u32 $0x300, v17;
	[tilespmem:s29+$0x50] =	vst v18  }
0xab: {  	v12 =	vor.u32 $0x380, v12;
	v11 =	vld.idx.msk [tilespmem:v11+s14+$0x0], $0xffff;
	[tilespmem:s29+$0xFFFFFFE0] =	vst v14  }
0xac: {  	v58 =	vor.u32 $0x200, v5;
	[tilespmem:s29+$0xFFFFFF20] =	vst v23;
	v19 =	vld.idx.msk [tilespmem:v56+s14+$0x0], $0xffff  }
0xad: {  	v14 =	vor.u32 $0x300, v6;
	[tilespmem:s29+$0xFFFFFFB0] =	vst v13;
	v59 =	vld.idx.msk [tilespmem:v24+s14+$0x0], $0xffff  }
0xae: {  	v7 =	vor.u32 $0x380, v7;
	[tilespmem:s29+$0xFFFFFF90] =	vst v8;
	v8 =	vld.idx.msk [tilespmem:v57+s14+$0x0], $0xffff  }
0xaf: {  	v13 =	vor.u32 $0x300, v10;
	[tilespmem:s29+$0x80] =	vst v4;
	v4 =	vld.idx.msk [tilespmem:v15+s14+$0x0], $0xffff  }
0xb0: {  	v9 =	vor.u32 $0x380, v9;
	v12 =	vld.idx.msk [tilespmem:v12+s14+$0x0], $0xffff;
	[tilespmem:s29+$0xFFFFFFC0] =	vst v11  }
0xb1: {  	v15 =	vld.idx.msk [tilespmem:v58+s14+$0x0], $0xffff;
	[tilespmem:s29+$0x60] =	vst v19  }
0xb2: {  	v11 =	vor.u32 $0x380, v17;
	v14 =	vld.idx.msk [tilespmem:v14+s14+$0x0], $0xffff;
	[tilespmem:s29+$0xFFFFFFA0] =	vst v59  }
0xb3: {  	v60 =	vor.u32 $0x280, v5;
	v62 =	vld.idx.msk [tilespmem:v7+s14+$0x0], $0xffff;
	[tilespmem:s29+$0x30] =	vst v8  }
0xb4: {  	v61 =	vor.u32 $0x380, v6;
	v63 =	vld.idx.msk [tilespmem:v13+s14+$0x0], $0xffff;
	[tilespmem:s29+$0x10] =	vst v4;
	v4 =	vshll.u32 v22, $0x3  }
0xb5: {  	s30 =	simm.s32 $0x15300;
	[tilespmem:s29+$0xD0] =	vst v12;
	v8 =	vld.idx.msk [tilespmem:v9+s14+$0x0], $0xffff;
	v9 =	vand.u32 $0x7F, v22;
	v4 =	vand.u32 $0xFFFFFC00, v4  }
0xb6: {  	v10 =	vor.u32 $0x380, v10;
	v12 =	vld [tilespmem:s31+$0xFFFFFFF0];
	[tilespmem:s30+$0xFFFFFF70] =	vst v15;
	v4 =	vor.u32 v9, v4  }
0xb7: {  	v6 =	vld.idx.msk [tilespmem:v11+s14+$0x0], $0xffff;
	[tilespmem:s29+$0x40] =	vst v14;
	v14 =	vor.u32 $0x200, v4  }
0xb8: {  	v11 =	vld.idx.msk [tilespmem:v60+s14+$0x0], $0xffff  }
0xb9: {  	v13 =	vor.u32 $0x300, v5;
	v7 =	vld.idx.msk [tilespmem:v61+s14+$0x0], $0xffff;
	[tilespmem:s29+$0xE0] =	vst v62  }
0xba: {  	s2 =	simm.s32 $0x80;
	v9 =	vld [tilespmem:s31+$0xFFFFFFE0];
	[tilespmem:s29+$0x20] =	vst v63  }
.LBB2_5:
0xbb: {  	s2 =	sadd.s32 $0x80, s2;
	v15 =	vor.u32 $0x280, v4;
	v16 =	vshll.u32 v3, $0x3;
	v5 =	vor.u32 $0x380, v5;
	v10 =	vld.idx.msk [tilespmem:v10+s14+$0x0], $0xffff  }
0xbc: {  	v17 =	vshll.u32 v2, $0x3;
	v3 =	vand.u32 $0x7F, v3;
	s31 =	sadd.s32 $0x80, s31;
	p0 =	slt.u32 s2, $0xF80;
	v14 =	vld.idx.msk [tilespmem:v14+s14+$0x0], $0xffff;
	v16 =	vand.u32 $0xFFFFFC00, v16;
	[tilespmem:s29+$0xB0] =	vst v8  }
0xbd: {  	v18 =	vand.u32 $0x7F, v1;
	v2 =	vand.u32 $0x7F, v2;
	v17 =	vand.u32 $0xFFFFFC00, v17;
	v8 =	vld [tilespmem:s31+$0xFFFFFFD0];
	[tilespmem:s30+$0xFFFFFFF0] =	vst v11  }
0xbe: {  	v17 =	vor.u32 v2, v17;
	v11 =	vand.u32 $0x7F, v12;
	v12 =	vshll.u32 v12, $0x3;
	v13 =	vld.idx.msk [tilespmem:v13+s14+$0x0], $0xffff;
	[tilespmem:s29+$0xC0] =	vst v7  }
0xbf: {  	v20 =	vor.u32 $0x200, v17;
	v7 =	vld [tilespmem:s31+$0x0];
	v19 =	vand.u32 $0x7F, v9;
	v12 =	vand.u32 $0xFFFFFC00, v12;
	[tilespmem:s29+$0x90] =	vst v6  }
0xc0: {  	v16 =	vor.u32 v3, v16;
	v6 =	vshll.u32 v0, $0x3;
	v9 =	vshll.u32 v9, $0x3;
	v2 =	vld [tilespmem:s31+$0x10]  }
0xc1: {  	v6 =	vand.u32 $0xFFFFFC00, v6;
	v11 =	vor.u32 v11, v12;
	v12 =	vor.u32 $0x200, v16;
	v3 =	vld [tilespmem:s31+$0x20];
	[tilespmem:s29+$0xA0] =	vst v10;
	s29 =	smov.u32 s30  }
0xc2: {  	v1 =	vshll.u32 v1, $0x3;
	v9 =	vand.u32 $0xFFFFFC00, v9;
	v10 =	vld [tilespmem:s31+$0x30];
	[tilespmem:s30+$0xFFFFFF00] =	vst v14;
	v14 =	vand.u32 $0x7F, v0;
	v0 =	vmovc v8  }
0xc3: {  	v23 =	vand.u32 $0xFFFFFC00, v1;
	v8 =	vld.idx.msk [tilespmem:v15+s14+$0x0], $0xffff;
	v6 =	vor.u32 v14, v6;
	v14 =	vor.u32 $0x200, v11  }
0xc4: {  	v18 =	vor.u32 v18, v23;
	v9 =	vor.u32 v19, v9;
	v15 =	vor.u32 $0x200, v6;
	v19 =	vld.idx.msk [tilespmem:v20+s14+$0x0], $0xffff;
	[tilespmem:s30+$0x70] =	vst v13  }
0xc5: {  	v21 =	vor.u32 $0x200, v18;
	v13 =	vor.u32 $0x300, v4;
	v20 =	vor.u32 $0x200, v9;
	v1 =	vmovc v7;
	v22 =	vld.idx.msk [tilespmem:v5+s14+$0x0], $0xffff  }
0xc6: {  	v7 =	vor.u32 $0x280, v17;
	v12 =	vld.idx.msk [tilespmem:v12+s14+$0x0], $0xffff  }
0xc7: {  	v23 =	vld [tilespmem:s31+$0xFFFFFFC0];
	v5 =	vshll.u32 v10, $0x3  }
0xc8: {  	v24 =	vor.u32 $0x280, v16;
	v10 =	vand.u32 $0x7F, v10;
	v5 =	vand.u32 $0xFFFFFC00, v5;
	v14 =	vld.idx.msk [tilespmem:v14+s14+$0x0], $0xffff  }
0xc9: {  	v5 =	vor.u32 v10, v5;
	[tilespmem:s30+$0xFFFFFF80] =	vst v8;
	v8 =	vld.idx.msk [tilespmem:v15+s14+$0x0], $0xffff  }
0xca: {  	v10 =	vld.idx.msk [tilespmem:v13+s14+$0x0], $0xffff;
	v13 =	vor.u32 $0x280, v11;
	[tilespmem:s30+$0xFFFFFF50] =	vst v19  }
0xcb: {  	v15 =	vor.u32 $0x380, v4;
	v19 =	vor.u32 $0x280, v6;
	v21 =	vld.idx.msk [tilespmem:v21+s14+$0x0], $0xffff;
	[tilespmem:s30+$0xF0] =	vst v22  }
0xcc: {  	v25 =	vor.u32 $0x280, v18;
	v22 =	vor.u32 $0x280, v9;
	v4 =	vshll.u32 v23, $0x3;
	v7 =	vld.idx.msk [tilespmem:v7+s14+$0x0], $0xffff;
	[tilespmem:s30+$0xFFFFFF60] =	vst v12  }
0xcd: {  	v12 =	vand.u32 $0x7F, v23;
	v23 =	vor.u32 $0x300, v17;
	v4 =	vand.u32 $0xFFFFFC00, v4;
	v24 =	vld.idx.msk [tilespmem:v24+s14+$0x0], $0xffff  }
0xce: {  	v4 =	vor.u32 v12, v4;
	v12 =	vld.idx.msk [tilespmem:v20+s14+$0x0], $0xffff;
	[tilespmem:s30+$0xFFFFFF30] =	vst v14  }
0xcf: {  	[tilespmem:s30+$0xFFFFFF10] =	vst v8;
	v8 =	vld.idx.msk [tilespmem:v13+s14+$0x0], $0xffff;
	v13 =	vor.u32 $0x300, v16  }
0xd0: {  	[tilespmem:s30+$0x0] =	vst v10;
	v10 =	vld.idx.msk [tilespmem:v19+s14+$0x0], $0xffff  }
0xd1: {  	v14 =	vld.idx.msk [tilespmem:v15+s14+$0x0], $0xffff;
	v15 =	vor.u32 $0x300, v11;
	[tilespmem:s30+$0xFFFFFF40] =	vst v21  }
0xd2: {  	v19 =	vor.u32 $0x300, v6;
	v20 =	vld.idx.msk [tilespmem:v25+s14+$0x0], $0xffff;
	[tilespmem:s30+$0xFFFFFFD0] =	vst v7  }
0xd3: {  	v21 =	vor.u32 $0x300, v9;
	v7 =	vor.u32 $0x200, v5;
	v25 =	vor.u32 $0x300, v18;
	v23 =	vld.idx.msk [tilespmem:v23+s14+$0x0], $0xffff;
	[tilespmem:s30+$0xFFFFFFE0] =	vst v24  }
0xd4: {  	[tilespmem:s30+$0xFFFFFF20] =	vst v12;
	v12 =	vld.idx.msk [tilespmem:v13+s14+$0x0], $0xffff  }
0xd5: {  	v13 =	vld.idx.msk [tilespmem:v22+s14+$0x0], $0xffff;
	[tilespmem:s30+$0xFFFFFFB0] =	vst v8;
	v8 =	vor.u32 $0x380, v17  }
0xd6: {  	[tilespmem:s30+$0xFFFFFF90] =	vst v10;
	v15 =	vld.idx.msk [tilespmem:v15+s14+$0x0], $0xffff;
	v10 =	vor.u32 $0x380, v16  }
0xd7: {  	[tilespmem:s30+$0x80] =	vst v14;
	v14 =	vld.idx.msk [tilespmem:v19+s14+$0x0], $0xffff  }
0xd8: {  	v11 =	vor.u32 $0x380, v11;
	v7 =	vld.idx.msk [tilespmem:v7+s14+$0x0], $0xffff;
	[tilespmem:s30+$0xFFFFFFC0] =	vst v20  }
0xd9: {  	v6 =	vor.u32 $0x380, v6;
	v16 =	vld.idx.msk [tilespmem:v25+s14+$0x0], $0xffff;
	[tilespmem:s30+$0x50] =	vst v23  }
0xda: {  	v17 =	vor.u32 $0x280, v5;
	v19 =	vld.idx.msk [tilespmem:v8+s14+$0x0], $0xffff;
	[tilespmem:s30+$0x60] =	vst v12  }
0xdb: {  	v12 =	vor.u32 $0x380, v18;
	[tilespmem:s30+$0xFFFFFFA0] =	vst v13;
	v18 =	vld.idx.msk [tilespmem:v10+s14+$0x0], $0xffff  }
0xdc: {  	v10 =	vor.u32 $0x380, v9;
	v20 =	vld.idx.msk [tilespmem:v21+s14+$0x0], $0xffff;
	[tilespmem:s30+$0x30] =	vst v15  }
0xdd: {  	s30 =	sadd.s32 $0x200, s30;
	[tilespmem:s29+$0x10] =	vst v14;
	v8 =	vld.idx.msk [tilespmem:v11+s14+$0x0], $0xffff  }
.Ltmp3:
0xde: {  	[tilespmem:s30+$0xFFFFFF70] =	vst v7;
	v6 =	vld.idx.msk [tilespmem:v6+s14+$0x0], $0xffff;
	(pc) =	sbr.rel @p0 .LBB2_5-.Ltmp3, $4  }
0xdf: {  	v14 =	vor.u32 $0x200, v4;
	v11 =	vld.idx.msk [tilespmem:v17+s14+$0x0], $0xffff;
	[tilespmem:s29+$0x40] =	vst v16  }
0xe0: {  	v7 =	vld.idx.msk [tilespmem:v12+s14+$0x0], $0xffff;
	[tilespmem:s29+$0xD0] =	vst v19  }
0xe1: {  	v13 =	vor.u32 $0x300, v5;
	v12 =	vld [tilespmem:s31+$0xFFFFFFF0];
	[tilespmem:s29+$0xE0] =	vst v18  }
0xe2: {  	v9 =	vld [tilespmem:s31+$0xFFFFFFE0];
	[tilespmem:s29+$0x20] =	vst v20  }
0xe3: {  	_ =	sdelay $0x1  }
0xe4: {  	v15 =	vor.u32 $0x280, v4  }
0xe5: {  	v16 =	vshll.u32 v3, $0x3;
	v5 =	vor.u32 $0x380, v5;
	v17 =	vshll.u32 v2, $0x3  }
0xe6: {  	v14 =	vld.idx.msk [tilespmem:v14+s14+$0x0], $0xffff;
	v3 =	vand.u32 $0x7F, v3;
	v2 =	vand.u32 $0x7F, v2;
	v17 =	vand.u32 $0xFFFFFC00, v17  }
0xe7: {  	v18 =	vshll.u32 v0, $0x3;
	v16 =	vand.u32 $0xFFFFFC00, v16;
	[tilespmem:s30+$0xFFFFFFF0] =	vst v11;
	v2 =	vor.u32 v2, v17  }
0xe8: {  	v13 =	vld.idx.msk [tilespmem:v13+s14+$0x0], $0xffff;
	v11 =	vand.u32 $0x7F, v12;
	v12 =	vshll.u32 v12, $0x3;
	v17 =	vor.u32 $0x200, v2  }
0xe9: {  	v0 =	vand.u32 $0x7F, v0;
	v3 =	vor.u32 v3, v16;
	v12 =	vand.u32 $0xFFFFFC00, v12  }
0xea: {  	v16 =	vand.u32 $0xFFFFFC00, v18;
	v11 =	vor.u32 v11, v12;
	v12 =	vor.u32 $0x200, v3  }
0xeb: {  	v10 =	vld.idx.msk [tilespmem:v10+s14+$0x0], $0xffff;
	v0 =	vor.u32 v0, v16;
	[tilespmem:s30+$0xFFFFFF00] =	vst v14;
	v14 =	vshll.u32 v1, $0x3;
	v16 =	vor.u32 $0x200, v11  }
0xec: {  	[tilespmem:s29+$0xB0] =	vst v8;
	v1 =	vand.u32 $0x7F, v1;
	v8 =	vld.idx.msk [tilespmem:v15+s14+$0x0], $0xffff;
	v14 =	vand.u32 $0xFFFFFC00, v14;
	v15 =	vor.u32 $0x200, v0  }
0xed: {  	v18 =	vshll.u32 v9, $0x3;
	v1 =	vor.u32 v1, v14;
	[tilespmem:s30+$0x70] =	vst v13;
	v13 =	vor.u32 $0x300, v4;
	v14 =	vld.idx.msk [tilespmem:v17+s14+$0x0], $0xffff  }
0xee: {  	[tilespmem:s29+$0xC0] =	vst v7;
	v7 =	vand.u32 $0x7F, v9;
	v9 =	vand.u32 $0xFFFFFC00, v18;
	v17 =	vor.u32 $0x200, v1;
	v5 =	vld.idx.msk [tilespmem:v5+s14+$0x0], $0xffff  }
0xef: {  	[tilespmem:s29+$0x90] =	vst v6;
	v6 =	vor.u32 v7, v9;
	v7 =	vor.u32 $0x280, v2;
	v9 =	vld.idx.msk [tilespmem:v12+s14+$0x0], $0xffff  }
0xf0: {  	[tilespmem:s29+$0xA0] =	vst v10;
	v10 =	vor.u32 $0x200, v6;
	v12 =	vld.idx.msk [tilespmem:v16+s14+$0x0], $0xffff  }
0xf1: {  	v16 =	vor.u32 $0x280, v3;
	[tilespmem:s30+$0xFFFFFF80] =	vst v8;
	v8 =	vld.idx.msk [tilespmem:v15+s14+$0x0], $0xffff  }
0xf2: {  	v15 =	vor.u32 $0x280, v11;
	v13 =	vld.idx.msk [tilespmem:v13+s14+$0x0], $0xffff;
	[tilespmem:s30+$0xFFFFFF50] =	vst v14  }
0xf3: {  	v14 =	vor.u32 $0x280, v0;
	v17 =	vld.idx.msk [tilespmem:v17+s14+$0x0], $0xffff;
	[tilespmem:s30+$0xF0] =	vst v5  }
0xf4: {  	v5 =	vor.u32 $0x280, v1;
	v7 =	vld.idx.msk [tilespmem:v7+s14+$0x0], $0xffff;
	[tilespmem:s30+$0xFFFFFF60] =	vst v9  }
0xf5: {  	v4 =	vor.u32 $0x380, v4;
	v9 =	vld.idx.msk [tilespmem:v10+s14+$0x0], $0xffff;
	[tilespmem:s30+$0xFFFFFF30] =	vst v12  }
0xf6: {  	v10 =	vor.u32 $0x280, v6;
	v12 =	vld.idx.msk [tilespmem:v16+s14+$0x0], $0xffff;
	[tilespmem:s30+$0xFFFFFF10] =	vst v8  }
0xf7: {  	v8 =	vor.u32 $0x300, v2;
	v15 =	vld.idx.msk [tilespmem:v15+s14+$0x0], $0xffff;
	[tilespmem:s30+$0x0] =	vst v13  }
0xf8: {  	v13 =	vor.u32 $0x300, v3;
	v14 =	vld.idx.msk [tilespmem:v14+s14+$0x0], $0xffff;
	[tilespmem:s30+$0xFFFFFF40] =	vst v17  }
0xf9: {  	v16 =	vor.u32 $0x300, v11;
	v5 =	vld.idx.msk [tilespmem:v5+s14+$0x0], $0xffff;
	[tilespmem:s30+$0xFFFFFFD0] =	vst v7  }
0xfa: {  	v4 =	vld.idx.msk [tilespmem:v4+s14+$0x0], $0xffff;
	v7 =	vor.u32 $0x300, v1;
	[tilespmem:s30+$0xFFFFFF20] =	vst v9  }
0xfb: {  	v9 =	vor.u32 $0x300, v0;
	[tilespmem:s30+$0xFFFFFFE0] =	vst v12;
	v10 =	vld.idx.msk [tilespmem:v10+s14+$0x0], $0xffff  }
0xfc: {  	v12 =	vor.u32 $0x300, v6;
	v8 =	vld.idx.msk [tilespmem:v8+s14+$0x0], $0xffff;
	[tilespmem:s30+$0xFFFFFFB0] =	vst v15  }
0xfd: {  	v2 =	vor.u32 $0x380, v2;
	v13 =	vld.idx.msk [tilespmem:v13+s14+$0x0], $0xffff;
	[tilespmem:s30+$0xFFFFFF90] =	vst v14  }
0xfe: {  	v3 =	vor.u32 $0x380, v3;
	v14 =	vld.idx.msk [tilespmem:v16+s14+$0x0], $0xffff;
	[tilespmem:s30+$0xFFFFFFC0] =	vst v5  }
0xff: {  	[tilespmem:s30+$0x80] =	vst v4;
	v4 =	vor.u32 $0x380, v11;
	v5 =	vld.idx.msk [tilespmem:v7+s14+$0x0], $0xffff  }
0x100: {  	v1 =	vor.u32 $0x380, v1;
	v7 =	vld.idx.msk [tilespmem:v9+s14+$0x0], $0xffff;
	[tilespmem:s30+$0xFFFFFFA0] =	vst v10  }
0x101: {  	v0 =	vor.u32 $0x380, v0;
	[tilespmem:s30+$0x50] =	vst v8;
	v8 =	vld.idx.msk [tilespmem:v12+s14+$0x0], $0xffff  }
0x102: {  	v6 =	vor.u32 $0x380, v6;
	v2 =	vld.idx.msk [tilespmem:v2+s14+$0x0], $0xffff;
	[tilespmem:s30+$0x60] =	vst v13  }
0x103: {  	v3 =	vld.idx.msk [tilespmem:v3+s14+$0x0], $0xffff;
	[tilespmem:s30+$0x30] =	vst v14  }
0x104: {  	v4 =	vld.idx.msk [tilespmem:v4+s14+$0x0], $0xffff;
	[tilespmem:s30+$0x40] =	vst v5  }
0x105: {  	[tilespmem:s30+$0x10] =	vst v7;
	v1 =	vld.idx.msk [tilespmem:v1+s14+$0x0], $0xffff  }
0x106: {  	v0 =	vld.idx.msk [tilespmem:v0+s14+$0x0], $0xffff;
	[tilespmem:s30+$0x20] =	vst v8  }
0x107: {  	[tilespmem:s30+$0xD0] =	vst v2;
	v2 =	vld.idx.msk [tilespmem:v6+s14+$0x0], $0xffff  }
0x108: {  	[tilespmem:s30+$0xE0] =	vst v3  }
0x109: {  	[tilespmem:s30+$0xB0] =	vst v4  }
0x10a: {  	[tilespmem:s30+$0xC0] =	vst v1  }
0x10b: {  	[tilespmem:s30+$0x90] =	vst v0  }
0x10c: {  	s2 =	sadd.s32 s28, s9;
	p0 =	seq.s32 s25, $0x1F;
	[tilespmem:s30+$0xA0] =	vst v2  }
0x10d: {  	[hbm4b:s2+s17] =	stream.strided.scatter [tilespmem:s20], [sflag:$0x4], $0x4000, s18, s17, $0x38;
	[tilespmem:$0x19000] =	vst v63  }
0x10e: {  	s2 =	sadd.s32 @!p0 s26, s10  }
0x10f: {  	s2 =	sshll.u32 @!p0 s2, $0x9  }
0x110: {  	s29 =	simm.s32 @!p0 $0x0;
	s30 =	simm.s32 @!p0 $0x1000;
	s2 =	sadd.s32 @!p0 s1, s2  }
0x111: {  	[tilespmem:s30], [sflag:$0x1] =	stream.linear.gather @!p0 [hbm4b:s2+s29], $0x8000, $0x38;
	[tilespmem:$0x19000] =	vst v63  }
0x112: {  	_ =	swait.ge [sflag:s21], $0x8000  }
0x113: {  	[sflag:s21] =	ssyncset.done $0x0  }
0x114: {  	[sflag:s21] =	ssyncadd.s32 $0xFFFF8000  }
0x115: {  	_ =	swait.ge [sflag:s22], $0x4000  }
0x116: {  	[sflag:s22] =	ssyncset.done $0x0  }
0x117: {  	s2 =	simm.s32 $0x40;
	[sflag:s22] =	ssyncadd.s32 $0xFFFFC000  }
0x118: {  	v0 =	vld [tilespmem:s2+$0xFFFFFFC0]  }
0x119: {  	v1 =	vld [tilespmem:s2+$0x10]  }
0x11a: {  	v3 =	vld [tilespmem:s2+$0xFFFFFFE0]  }
0x11b: {  	v2 =	vld [tilespmem:s2+$0x0];
	_ =	sdelay $0x1  }
0x11c: {  	v6 =	vld [tilespmem:s2+$0x20]  }
0x11d: {  	v7 =	vld [tilespmem:s2+$0xFFFFFFF0];
	v4 =	vshll.u32 v0, $0x3;
	v0 =	vand.u32 $0x7F, v0;
	v5 =	vshll.u32 v1, $0x3  }
0x11e: {  	v1 =	vand.u32 $0x7F, v1;
	v9 =	vshll.u32 v3, $0x3;
	v4 =	vand.u32 $0xFFFFFC00, v4  }
0x11f: {  	v8 =	vld [tilespmem:s2+$0xFFFFFFD0];
	v3 =	vand.u32 $0x7F, v3;
	v4 =	vor.u32 v0, v4;
	v0 =	vshll.u32 v2, $0x3  }
0x120: {  	v5 =	vand.u32 $0xFFFFFC00, v5;
	v2 =	vand.u32 $0x7F, v2;
	v0 =	vand.u32 $0xFFFFFC00, v0  }
0x121: {  	v5 =	vor.u32 v1, v5;
	v0 =	vor.u32 v2, v0;
	v2 =	vand.u32 $0xFFFFFC00, v9;
	v9 =	vld [tilespmem:s2+$0x30]  }
0x122: {  	v11 =	vand.u32 $0x7F, v7;
	v2 =	vor.u32 v3, v2;
	v3 =	vshll.u32 v6, $0x3  }
0x123: {  	v1 =	vand.u32 $0x7F, v6;
	v12 =	vor.u32 $0x80, v4;
	v3 =	vand.u32 $0xFFFFFC00, v3  }
0x124: {  	v6 =	vshll.u32 v7, $0x3;
	v10 =	vld.idx.msk [tilespmem:v4+s15+$0x0], $0xffff;
	v1 =	vor.u32 v1, v3;
	v3 =	vshll.u32 v8, $0x3  }
0x125: {  	v6 =	vand.u32 $0xFFFFFC00, v6;
	v8 =	vand.u32 $0x7F, v8;
	v3 =	vand.u32 $0xFFFFFC00, v3  }
0x126: {  	v6 =	vor.u32 v11, v6;
	v17 =	vld.idx.msk [tilespmem:v5+s15+$0x0], $0xffff;
	v7 =	vor.u32 v8, v3;
	v3 =	vshll.u32 v9, $0x3  }
0x127: {  	v13 =	vld.idx.msk [tilespmem:v0+s15+$0x0], $0xffff;
	v8 =	vand.u32 $0x7F, v9;
	v3 =	vand.u32 $0xFFFFFC00, v3  }
0x128: {  	s29 =	simm.s32 $0x11100;
	v11 =	vld.idx.msk [tilespmem:v2+s15+$0x0], $0xffff;
	v3 =	vor.u32 v8, v3  }
0x129: {  	v20 =	vor.u32 $0x80, v0;
	[tilespmem:s29+$0xFFFFFF00] =	vst v10;
	v10 =	vld.idx.msk [tilespmem:v1+s15+$0x0], $0xffff  }
0x12a: {  	v18 =	vld.idx.msk [tilespmem:v12+s15+$0x0], $0xffff;
	v12 =	vor.u32 $0x80, v5  }
0x12b: {  	v15 =	vor.u32 $0x80, v2;
	v16 =	vld.idx.msk [tilespmem:v6+s15+$0x0], $0xffff  }
0x12c: {  	s31 =	simm.s32 $0x11100;
	s30 =	simm.s32 $0xC0;
	s2 =	simm.s32 $0x0;
	v9 =	vor.u32 $0x80, v1;
	v14 =	vor.u32 $0x80, v7;
	v8 =	vor.u32 $0x80, v3;
	v19 =	vld.idx.msk [tilespmem:v7+s15+$0x0], $0xffff  }
.LBB2_7:
0x12d: {  	s2 =	sadd.s32 $0x80, s2;
	[tilespmem:s29+$0xFFFFFF40] =	vst v13;
	v13 =	vld.idx.msk [tilespmem:v3+s15+$0x0], $0xffff;
	s31 =	sadd.s32 $0x200, s31  }
0x12e: {  	p1 =	slt.u32 s2, $0xF80;
	v20 =	vld.idx.msk [tilespmem:v20+s15+$0x0], $0xffff;
	[tilespmem:s29+$0xFFFFFF50] =	vst v17  }
0x12f: {  	v17 =	vor.u32 $0x100, v4;
	v12 =	vld.idx.msk [tilespmem:v12+s15+$0x0], $0xffff  }
0x130: {  	v21 =	vld [tilespmem:s30+$0x10];
	[tilespmem:s29+$0xFFFFFF80] =	vst v18  }
0x131: {  	v18 =	vld [tilespmem:s30+$0xFFFFFFE0];
	[tilespmem:s29+$0xFFFFFF10] =	vst v19;
	v19 =	vor.u32 $0x80, v6  }
0x132: {  	v14 =	vld.idx.msk [tilespmem:v14+s15+$0x0], $0xffff;
	[tilespmem:s29+$0xFFFFFF20] =	vst v11  }
0x133: {  	v11 =	vld.idx.msk [tilespmem:v15+s15+$0x0], $0xffff;
	[tilespmem:s29+$0xFFFFFF70] =	vst v13  }
0x134: {  	v13 =	vld.idx.msk [tilespmem:v17+s15+$0x0], $0xffff;
	[tilespmem:s29+$0xFFFFFFC0] =	vst v20  }
0x135: {  	v15 =	vld [tilespmem:s30+$0xFFFFFFF0];
	[tilespmem:s29+$0xFFFFFF30] =	vst v16  }
0x136: {  	v16 =	vld.idx.msk [tilespmem:v19+s15+$0x0], $0xffff;
	[tilespmem:s29+$0xFFFFFFD0] =	vst v12  }
0x137: {  	v12 =	vld [tilespmem:s30+$0xFFFFFFC0];
	[tilespmem:s29+$0xFFFFFF60] =	vst v10  }
0x138: {  	[tilespmem:s29+$0xFFFFFF90] =	vst v14;
	v8 =	vld.idx.msk [tilespmem:v8+s15+$0x0], $0xffff  }
0x139: {  	v10 =	vld [tilespmem:s30+$0x20];
	[tilespmem:s29+$0xFFFFFFA0] =	vst v11;
	v11 =	vor.u32 $0x100, v5  }
0x13a: {  	v14 =	vld [tilespmem:s30+$0x30];
	[tilespmem:s29+$0x0] =	vst v13;
	v13 =	vor.u32 $0x100, v7  }
0x13b: {  	v19 =	vor.u32 $0x100, v6;
	v17 =	vld [tilespmem:s30+$0xFFFFFFD0]  }
0x13c: {  	v20 =	vor.u32 $0x180, v4;
	[tilespmem:s29+$0xFFFFFFB0] =	vst v16;
	v9 =	vld.idx.msk [tilespmem:v9+s15+$0x0], $0xffff  }
0x13d: {  	v22 =	vor.u32 $0x100, v2;
	v23 =	vor.u32 $0x180, v5;
	v5 =	vor.u32 $0x100, v1;
	v16 =	vld [tilespmem:s30+$0x0]  }
0x13e: {  	v24 =	vor.u32 $0x100, v0;
	v4 =	vshll.u32 v12, $0x3;
	v11 =	vld.idx.msk [tilespmem:v11+s15+$0x0], $0xffff;
	[tilespmem:s29+$0xFFFFFFF0] =	vst v8;
	v8 =	vor.u32 $0x100, v3  }
0x13f: {  	v4 =	vand.u32 $0xFFFFFC00, v4;
	v25 =	vand.u32 $0x7F, v14;
	v14 =	vshll.u32 v14, $0x3;
	v13 =	vld.idx.msk [tilespmem:v13+s15+$0x0], $0xffff  }
0x140: {  	v6 =	vor.u32 $0x180, v6;
	v12 =	vand.u32 $0x7F, v12;
	v14 =	vand.u32 $0xFFFFFC00, v14;
	v19 =	vld.idx.msk [tilespmem:v19+s15+$0x0], $0xffff  }
0x141: {  	v7 =	vor.u32 $0x180, v7;
	v4 =	vor.u32 v12, v4;
	v12 =	vshll.u32 v21, $0x3;
	v20 =	vld.idx.msk [tilespmem:v20+s15+$0x0], $0xffff  }
0x142: {  	v26 =	vshll.u32 v15, $0x3;
	v14 =	vor.u32 v25, v14;
	v27 =	vshll.u32 v16, $0x3;
	v22 =	vld.idx.msk [tilespmem:v22+s15+$0x0], $0xffff;
	[tilespmem:s29+$0xFFFFFFE0] =	vst v9  }
0x143: {  	v21 =	vand.u32 $0x7F, v21;
	v9 =	vand.u32 $0xFFFFFC00, v26;
	v16 =	vand.u32 $0x7F, v16;
	v25 =	vld.idx.msk [tilespmem:v5+s15+$0x0], $0xffff  }
0x144: {  	v12 =	vand.u32 $0xFFFFFC00, v12;
	v26 =	vor.u32 $0x180, v2;
	v5 =	vand.u32 $0xFFFFFC00, v27;
	[tilespmem:s29+$0x50] =	vst v11;
	v8 =	vld.idx.msk [tilespmem:v8+s15+$0x0], $0xffff  }
0x145: {  	v2 =	vshll.u32 v18, $0x3;
	v11 =	vor.u32 v16, v5;
	v5 =	vor.u32 v21, v12;
	[tilespmem:s29+$0x10] =	vst v13;
	v12 =	vld.idx.msk [tilespmem:v24+s15+$0x0], $0xffff  }
0x146: {  	v2 =	vand.u32 $0xFFFFFC00, v2;
	v13 =	vor.u32 $0x180, v3;
	v3 =	vmov v14;
	v7 =	vld.idx.msk [tilespmem:v7+s15+$0x0], $0xffff;
	[tilespmem:s29+$0x30] =	vst v19  }
0x147: {  	v14 =	vand.u32 $0x7F, v18;
	v18 =	vor.u32 $0x180, v0;
	v0 =	vmovc v11;
	v19 =	vor.u32 $0x180, v1;
	[tilespmem:s29+$0x80] =	vst v20;
	v16 =	vld.idx.msk [tilespmem:v6+s15+$0x0], $0xffff  }
0x148: {  	v21 =	vor.u32 $0x80, v4;
	v2 =	vor.u32 v14, v2;
	v1 =	vand.u32 $0x7F, v15;
	[tilespmem:s29+$0x20] =	vst v22;
	v11 =	vld.idx.msk [tilespmem:v23+s15+$0x0], $0xffff  }
0x149: {  	v6 =	vor.u32 v1, v9;
	v1 =	vshll.u32 v10, $0x3;
	v9 =	vld.idx.msk [tilespmem:v26+s15+$0x0], $0xffff;
	[tilespmem:s29+$0x60] =	vst v25  }
0x14a: {  	v10 =	vand.u32 $0x7F, v10;
	v1 =	vand.u32 $0xFFFFFC00, v1;
	v15 =	vld.idx.msk [tilespmem:v4+s15+$0x0], $0xffff;
	[tilespmem:s29+$0x70] =	vst v8  }
0x14b: {  	v1 =	vor.u32 v10, v1;
	[tilespmem:s29+$0x40] =	vst v12;
	v22 =	vld.idx.msk [tilespmem:v13+s15+$0x0], $0xffff  }
0x14c: {  	v8 =	vshll.u32 v17, $0x3;
	v12 =	vor.u32 $0x80, v5;
	v13 =	vld.idx.msk [tilespmem:v0+s15+$0x0], $0xffff;
	[tilespmem:s29+$0x90] =	vst v7  }
0x14d: {  	v10 =	vand.u32 $0xFFFFFC00, v8;
	v8 =	vor.u32 $0x80, v3;
	v7 =	vand.u32 $0x7F, v17;
	[tilespmem:s29+$0xB0] =	vst v16;
	v16 =	vld.idx.msk [tilespmem:v18+s15+$0x0], $0xffff  }
0x14e: {  	v7 =	vor.u32 v7, v10;
	[tilespmem:s29+$0xD0] =	vst v11;
	v23 =	vld.idx.msk [tilespmem:v19+s15+$0x0], $0xffff  }
0x14f: {  	v14 =	vor.u32 $0x80, v7;
	v11 =	vld.idx.msk [tilespmem:v2+s15+$0x0], $0xffff  }
.Ltmp4:
0x150: {  	[tilespmem:s31+$0xFFFFFF00] =	vst v15;
	v15 =	vor.u32 $0x80, v2;
	v17 =	vld.idx.msk [tilespmem:v5+s15+$0x0], $0xffff;
	(pc) =	sbr.rel @p1 .LBB2_7-.Ltmp4, $4  }
0x151: {  	v20 =	vor.u32 $0x80, v0;
	v10 =	vld.idx.msk [tilespmem:v1+s15+$0x0], $0xffff;
	[tilespmem:s29+$0xF0] =	vst v22  }
0x152: {  	v18 =	vld.idx.msk [tilespmem:v21+s15+$0x0], $0xffff;
	[tilespmem:s29+$0xA0] =	vst v9  }
0x153: {  	v19 =	vld.idx.msk [tilespmem:v7+s15+$0x0], $0xffff;
	[tilespmem:s29+$0xC0] =	vst v16  }
0x154: {  	s30 =	sadd.s32 $0x80, s30;
	v9 =	vor.u32 $0x80, v1;
	v16 =	vld.idx.msk [tilespmem:v6+s15+$0x0], $0xffff;
	[tilespmem:s29+$0xE0] =	vst v23;
	s29 =	smov.u32 s31  }
0x155: {  	_ =	sdelay $0x2  }
0x156: {  	[tilespmem:s29+$0xFFFFFF40] =	vst v13  }
0x157: {  	v13 =	vld.idx.msk [tilespmem:v3+s15+$0x0], $0xffff;
	[tilespmem:s29+$0xFFFFFF50] =	vst v17  }
0x158: {  	v43 =	vor.u32 $0x80, v6;
	[tilespmem:s29+$0xFFFFFF20] =	vst v11  }
0x159: {  	v44 =	vor.u32 $0x100, v4;
	v12 =	vld.idx.msk [tilespmem:v12+s15+$0x0], $0xffff;
	[tilespmem:s29+$0xFFFFFF60] =	vst v10  }
0x15a: {  	v42 =	vld.idx.msk [tilespmem:v20+s15+$0x0], $0xffff;
	[tilespmem:s29+$0xFFFFFF10] =	vst v19  }
0x15b: {  	v11 =	vld.idx.msk [tilespmem:v14+s15+$0x0], $0xffff;
	[tilespmem:s29+$0xFFFFFF30] =	vst v16  }
0x15c: {  	v14 =	vor.u32 $0x100, v5;
	[tilespmem:s29+$0xFFFFFF70] =	vst v13;
	v13 =	vld.idx.msk [tilespmem:v15+s15+$0x0], $0xffff  }
0x15d: {  	v45 =	vor.u32 $0x100, v7;
	[tilespmem:s29+$0xFFFFFF80] =	vst v18;
	v15 =	vld.idx.msk [tilespmem:v43+s15+$0x0], $0xffff  }
0x15e: {  	v46 =	vld.idx.msk [tilespmem:v44+s15+$0x0], $0xffff;
	[tilespmem:s29+$0xFFFFFFD0] =	vst v12;
	v12 =	vor.u32 $0x100, v6  }
0x15f: {  	v4 =	vor.u32 $0x180, v4;
	v9 =	vld.idx.msk [tilespmem:v9+s15+$0x0], $0xffff;
	[tilespmem:s29+$0xFFFFFFC0] =	vst v42  }
0x160: {  	v10 =	vor.u32 $0x100, v2;
	v8 =	vld.idx.msk [tilespmem:v8+s15+$0x0], $0xffff;
	[tilespmem:s29+$0xFFFFFF90] =	vst v11  }
0x161: {  	v11 =	vld.idx.msk [tilespmem:v14+s15+$0x0], $0xffff;
	v14 =	vor.u32 $0x100, v1;
	[tilespmem:s29+$0xFFFFFFA0] =	vst v13  }
0x162: {  	v47 =	vor.u32 $0x100, v0;
	[tilespmem:s29+$0xFFFFFFB0] =	vst v15;
	v15 =	vld.idx.msk [tilespmem:v45+s15+$0x0], $0xffff  }
0x163: {  	v13 =	vor.u32 $0x100, v3;
	[tilespmem:s29+$0x0] =	vst v46;
	v12 =	vld.idx.msk [tilespmem:v12+s15+$0x0], $0xffff  }
0x164: {  	v5 =	vor.u32 $0x180, v5;
	[tilespmem:s29+$0xFFFFFFE0] =	vst v9;
	v4 =	vld.idx.msk [tilespmem:v4+s15+$0x0], $0xffff  }
0x165: {  	v7 =	vor.u32 $0x180, v7;
	[tilespmem:s29+$0xFFFFFFF0] =	vst v8;
	v8 =	vld.idx.msk [tilespmem:v10+s15+$0x0], $0xffff  }
0x166: {  	v6 =	vor.u32 $0x180, v6;
	[tilespmem:s29+$0x50] =	vst v11;
	v10 =	vld.idx.msk [tilespmem:v14+s15+$0x0], $0xffff  }
0x167: {  	v2 =	vor.u32 $0x180, v2;
	v11 =	vld.idx.msk [tilespmem:v47+s15+$0x0], $0xffff;
	[tilespmem:s29+$0x10] =	vst v15  }
0x168: {  	v0 =	vor.u32 $0x180, v0;
	v9 =	vld.idx.msk [tilespmem:v13+s15+$0x0], $0xffff;
	[tilespmem:s29+$0x30] =	vst v12  }
0x169: {  	v1 =	vor.u32 $0x180, v1;
	v5 =	vld.idx.msk [tilespmem:v5+s15+$0x0], $0xffff;
	[tilespmem:s29+$0x80] =	vst v4  }
0x16a: {  	v3 =	vor.u32 $0x180, v3;
	v7 =	vld.idx.msk [tilespmem:v7+s15+$0x0], $0xffff;
	[tilespmem:s29+$0x20] =	vst v8  }
0x16b: {  	v4 =	vld.idx.msk [tilespmem:v6+s15+$0x0], $0xffff;
	[tilespmem:s29+$0x60] =	vst v10  }
0x16c: {  	v2 =	vld.idx.msk [tilespmem:v2+s15+$0x0], $0xffff;
	[tilespmem:s29+$0x40] =	vst v11  }
0x16d: {  	[tilespmem:s29+$0x70] =	vst v9;
	v0 =	vld.idx.msk [tilespmem:v0+s15+$0x0], $0xffff  }
0x16e: {  	v1 =	vld.idx.msk [tilespmem:v1+s15+$0x0], $0xffff;
	[tilespmem:s29+$0xD0] =	vst v5  }
0x16f: {  	v3 =	vld.idx.msk [tilespmem:v3+s15+$0x0], $0xffff;
	[tilespmem:s29+$0x90] =	vst v7  }
0x170: {  	[tilespmem:s29+$0xB0] =	vst v4  }
0x171: {  	[tilespmem:s29+$0xA0] =	vst v2  }
0x172: {  	[tilespmem:s29+$0xC0] =	vst v0  }
0x173: {  	s28 =	sor.u32 $0x1000, s28;
	[tilespmem:s29+$0xE0] =	vst v1  }
0x174: {  	s2 =	sadd.s32 s4, s28;
	[tilespmem:s29+$0xF0] =	vst v3  }
0x175: {  	[hbm4b:s2+s17] =	stream.strided.scatter [tilespmem:s19], [sflag:$0x3], $0x4000, s18, s17, $0x38;
	[tilespmem:$0x19000] =	vst v63  }
0x176: {  	_ =	swait.ge [sflag:s23], $0x4000  }
0x177: {  	[sflag:s23] =	ssyncset.done $0x0  }
0x178: {  	s2 =	simm.s32 $0x40;
	[sflag:s23] =	ssyncadd.s32 $0xFFFFC000  }
0x179: {  	v0 =	vld [tilespmem:s2+$0x30];
	_ =	sdelay $0x3  }
0x17a: {  	v2 =	vld [tilespmem:s2+$0xFFFFFFC0]  }
0x17b: {  	v1 =	vshll.u32 v0, $0x3  }
0x17c: {  	v0 =	vand.u32 $0x7F, v0;
	v1 =	vand.u32 $0xFFFFFC00, v1  }
0x17d: {  	v1 =	vor.u32 v0, v1  }
0x17e: {  	v0 =	vor.u32 $0x200, v1  }
0x17f: {  	v4 =	vshll.u32 v2, $0x3  }
0x180: {  	v9 =	vld [tilespmem:s2+$0xFFFFFFF0];
	v2 =	vand.u32 $0x7F, v2;
	v4 =	vand.u32 $0xFFFFFC00, v4  }
0x181: {  	v4 =	vor.u32 v2, v4;
	v2 =	vld [tilespmem:s2+$0x10]  }
0x182: {  	v5 =	vld [tilespmem:s2+$0xFFFFFFD0]  }
0x183: {  	v0 =	vld.idx.msk [tilespmem:v0+s15+$0x0], $0xffff  }
0x184: {  	v3 =	vor.u32 $0x280, v1;
	_ =	sdelay $0x1  }
0x185: {  	v6 =	vld [tilespmem:s2+$0x0];
	v48 =	vand.u32 $0x7F, v9;
	v12 =	vshll.u32 v2, $0x3  }
0x186: {  	s29 =	simm.s32 $0x15100;
	v7 =	vld [tilespmem:s2+$0x20];
	v9 =	vshll.u32 v9, $0x3;
	v2 =	vand.u32 $0x7F, v2;
	v12 =	vand.u32 $0xFFFFFC00, v12  }
0x187: {  	v10 =	vld [tilespmem:s2+$0xFFFFFFE0];
	v49 =	vshll.u32 v5, $0x3;
	v12 =	vor.u32 v2, v12;
	[tilespmem:s29+$0xFFFFFF70] =	vst v0;
	v0 =	vor.u32 $0x200, v4  }
0x188: {  	s31 =	simm.s32 $0xC0;
	v5 =	vand.u32 $0x7F, v5;
	v9 =	vand.u32 $0xFFFFFC00, v9;
	v15 =	vor.u32 $0x200, v12;
	v3 =	vld.idx.msk [tilespmem:v3+s15+$0x0], $0xffff  }
0x189: {  	v51 =	vld [tilespmem:s31+$0x30];
	v17 =	vand.u32 $0xFFFFFC00, v49;
	v9 =	vor.u32 v48, v9;
	v8 =	vor.u32 $0x300, v1  }
0x18a: {  	v22 =	vld [tilespmem:s31+$0xFFFFFFC0];
	v17 =	vor.u32 v5, v17;
	v5 =	vor.u32 $0x200, v9  }
0x18b: {  	v14 =	vor.u32 $0x380, v1;
	v1 =	vld [tilespmem:s31+$0x0]  }
0x18c: {  	v11 =	vld.idx.msk [tilespmem:v0+s15+$0x0], $0xffff  }
0x18d: {  	v13 =	vor.u32 $0x280, v4;
	v15 =	vld.idx.msk [tilespmem:v15+s15+$0x0], $0xffff;
	[tilespmem:s29+$0xFFFFFFF0] =	vst v3;
	v3 =	vshll.u32 v7, $0x3  }
0x18e: {  	v21 =	vor.u32 $0x280, v12;
	v7 =	vand.u32 $0x7F, v7;
	v8 =	vld.idx.msk [tilespmem:v8+s15+$0x0], $0xffff;
	v3 =	vand.u32 $0xFFFFFC00, v3  }
0x18f: {  	v5 =	vld.idx.msk [tilespmem:v5+s15+$0x0], $0xffff;
	v7 =	vor.u32 v7, v3  }
0x190: {  	v2 =	vld [tilespmem:s31+$0x10];
	v50 =	vor.u32 $0x200, v7  }
0x191: {  	v0 =	vld [tilespmem:s31+$0xFFFFFFD0];
	[tilespmem:s29+$0xFFFFFF00] =	vst v11;
	v11 =	vshll.u32 v6, $0x3  }
0x192: {  	v52 =	vor.u32 $0x200, v17;
	[tilespmem:s29+$0xFFFFFF50] =	vst v15;
	v6 =	vand.u32 $0x7F, v6;
	v13 =	vld.idx.msk [tilespmem:v13+s15+$0x0], $0xffff;
	v11 =	vand.u32 $0xFFFFFC00, v11  }
0x193: {  	v21 =	vld.idx.msk [tilespmem:v21+s15+$0x0], $0xffff;
	[tilespmem:s29+$0x70] =	vst v8;
	v6 =	vor.u32 v6, v11;
	v8 =	vor.u32 $0x300, v4  }
0x194: {  	v11 =	vld.idx.msk [tilespmem:v14+s15+$0x0], $0xffff;
	v14 =	vshll.u32 v10, $0x3;
	v53 =	vor.u32 $0x200, v6  }
0x195: {  	v55 =	vor.u32 $0x300, v12;
	v10 =	vand.u32 $0x7F, v10;
	v18 =	vld.idx.msk [tilespmem:v50+s15+$0x0], $0xffff;
	v14 =	vand.u32 $0xFFFFFC00, v14  }
0x196: {  	v3 =	vld [tilespmem:s31+$0x20];
	v10 =	vor.u32 v10, v14;
	v14 =	vor.u32 $0x280, v7  }
0x197: {  	v23 =	vor.u32 $0x200, v10;
	[tilespmem:s29+$0xFFFFFF80] =	vst v13;
	v13 =	vld.idx.msk [tilespmem:v52+s15+$0x0], $0xffff  }
0x198: {  	v54 =	vor.u32 $0x280, v9;
	[tilespmem:s29+$0xFFFFFF30] =	vst v5;
	v8 =	vld.idx.msk [tilespmem:v8+s15+$0x0], $0xffff  }
0x199: {  	v15 =	vor.u32 $0x280, v17;
	[tilespmem:s29+$0xFFFFFFD0] =	vst v21;
	v20 =	vld.idx.msk [tilespmem:v53+s15+$0x0], $0xffff  }
0x19a: {  	v4 =	vor.u32 $0x380, v4;
	[tilespmem:s29+$0xFFFFFF60] =	vst v18;
	v18 =	vld.idx.msk [tilespmem:v55+s15+$0x0], $0xffff  }
0x19b: {  	[tilespmem:s29+$0xF0] =	vst v11;
	v11 =	vor.u32 $0x280, v6;
	v14 =	vld.idx.msk [tilespmem:v14+s15+$0x0], $0xffff  }
0x19c: {  	v56 =	vor.u32 $0x300, v7;
	v23 =	vld.idx.msk [tilespmem:v23+s15+$0x0], $0xffff;
	[tilespmem:s29+$0xFFFFFF10] =	vst v13  }
0x19d: {  	v5 =	vshll.u32 v51, $0x3;
	v24 =	vor.u32 $0x280, v10;
	v13 =	vld.idx.msk [tilespmem:v54+s15+$0x0], $0xffff;
	[tilespmem:s29+$0x0] =	vst v8  }
0x19e: {  	v57 =	vor.u32 $0x300, v9;
	v5 =	vand.u32 $0xFFFFFC00, v5;
	v8 =	vld.idx.msk [tilespmem:v15+s15+$0x0], $0xffff;
	v15 =	vand.u32 $0x7F, v51;
	[tilespmem:s29+$0xFFFFFF40] =	vst v20  }
0x19f: {  	v4 =	vld.idx.msk [tilespmem:v4+s15+$0x0], $0xffff;
	v5 =	vor.u32 v15, v5;
	v15 =	vor.u32 $0x300, v17;
	[tilespmem:s29+$0x50] =	vst v18  }
0x1a0: {  	v12 =	vor.u32 $0x380, v12;
	v11 =	vld.idx.msk [tilespmem:v11+s15+$0x0], $0xffff;
	[tilespmem:s29+$0xFFFFFFE0] =	vst v14  }
0x1a1: {  	v58 =	vor.u32 $0x200, v5;
	[tilespmem:s29+$0xFFFFFF20] =	vst v23;
	v19 =	vld.idx.msk [tilespmem:v56+s15+$0x0], $0xffff  }
0x1a2: {  	v14 =	vor.u32 $0x300, v6;
	[tilespmem:s29+$0xFFFFFFB0] =	vst v13;
	v59 =	vld.idx.msk [tilespmem:v24+s15+$0x0], $0xffff  }
0x1a3: {  	v7 =	vor.u32 $0x380, v7;
	[tilespmem:s29+$0xFFFFFF90] =	vst v8;
	v8 =	vld.idx.msk [tilespmem:v57+s15+$0x0], $0xffff  }
0x1a4: {  	v13 =	vor.u32 $0x300, v10;
	[tilespmem:s29+$0x80] =	vst v4;
	v4 =	vld.idx.msk [tilespmem:v15+s15+$0x0], $0xffff  }
0x1a5: {  	v9 =	vor.u32 $0x380, v9;
	v12 =	vld.idx.msk [tilespmem:v12+s15+$0x0], $0xffff;
	[tilespmem:s29+$0xFFFFFFC0] =	vst v11  }
0x1a6: {  	v15 =	vld.idx.msk [tilespmem:v58+s15+$0x0], $0xffff;
	[tilespmem:s29+$0x60] =	vst v19  }
0x1a7: {  	v11 =	vor.u32 $0x380, v17;
	v14 =	vld.idx.msk [tilespmem:v14+s15+$0x0], $0xffff;
	[tilespmem:s29+$0xFFFFFFA0] =	vst v59  }
0x1a8: {  	v60 =	vor.u32 $0x280, v5;
	v62 =	vld.idx.msk [tilespmem:v7+s15+$0x0], $0xffff;
	[tilespmem:s29+$0x30] =	vst v8  }
0x1a9: {  	v61 =	vor.u32 $0x380, v6;
	v63 =	vld.idx.msk [tilespmem:v13+s15+$0x0], $0xffff;
	[tilespmem:s29+$0x10] =	vst v4;
	v4 =	vshll.u32 v22, $0x3  }
0x1aa: {  	s30 =	simm.s32 $0x15300;
	[tilespmem:s29+$0xD0] =	vst v12;
	v8 =	vld.idx.msk [tilespmem:v9+s15+$0x0], $0xffff;
	v9 =	vand.u32 $0x7F, v22;
	v4 =	vand.u32 $0xFFFFFC00, v4  }
0x1ab: {  	v10 =	vor.u32 $0x380, v10;
	v12 =	vld [tilespmem:s31+$0xFFFFFFF0];
	[tilespmem:s30+$0xFFFFFF70] =	vst v15;
	v4 =	vor.u32 v9, v4  }
0x1ac: {  	v6 =	vld.idx.msk [tilespmem:v11+s15+$0x0], $0xffff;
	[tilespmem:s29+$0x40] =	vst v14;
	v14 =	vor.u32 $0x200, v4  }
0x1ad: {  	v11 =	vld.idx.msk [tilespmem:v60+s15+$0x0], $0xffff  }
0x1ae: {  	v13 =	vor.u32 $0x300, v5;
	v7 =	vld.idx.msk [tilespmem:v61+s15+$0x0], $0xffff;
	[tilespmem:s29+$0xE0] =	vst v62  }
0x1af: {  	s2 =	simm.s32 $0x80;
	v9 =	vld [tilespmem:s31+$0xFFFFFFE0];
	[tilespmem:s29+$0x20] =	vst v63  }
.LBB2_9:
0x1b0: {  	s2 =	sadd.s32 $0x80, s2;
	v15 =	vor.u32 $0x280, v4;
	v16 =	vshll.u32 v3, $0x3;
	v5 =	vor.u32 $0x380, v5;
	v10 =	vld.idx.msk [tilespmem:v10+s15+$0x0], $0xffff  }
0x1b1: {  	v17 =	vshll.u32 v2, $0x3;
	v3 =	vand.u32 $0x7F, v3;
	s31 =	sadd.s32 $0x80, s31;
	p1 =	slt.u32 s2, $0xF80;
	v14 =	vld.idx.msk [tilespmem:v14+s15+$0x0], $0xffff;
	v16 =	vand.u32 $0xFFFFFC00, v16;
	[tilespmem:s29+$0xB0] =	vst v8  }
0x1b2: {  	v18 =	vand.u32 $0x7F, v1;
	v2 =	vand.u32 $0x7F, v2;
	v17 =	vand.u32 $0xFFFFFC00, v17;
	v8 =	vld [tilespmem:s31+$0xFFFFFFD0];
	[tilespmem:s30+$0xFFFFFFF0] =	vst v11  }
0x1b3: {  	v17 =	vor.u32 v2, v17;
	v11 =	vand.u32 $0x7F, v12;
	v12 =	vshll.u32 v12, $0x3;
	v13 =	vld.idx.msk [tilespmem:v13+s15+$0x0], $0xffff;
	[tilespmem:s29+$0xC0] =	vst v7  }
0x1b4: {  	v20 =	vor.u32 $0x200, v17;
	v7 =	vld [tilespmem:s31+$0x0];
	v19 =	vand.u32 $0x7F, v9;
	v12 =	vand.u32 $0xFFFFFC00, v12;
	[tilespmem:s29+$0x90] =	vst v6  }
0x1b5: {  	v16 =	vor.u32 v3, v16;
	v6 =	vshll.u32 v0, $0x3;
	v9 =	vshll.u32 v9, $0x3;
	v2 =	vld [tilespmem:s31+$0x10]  }
0x1b6: {  	v6 =	vand.u32 $0xFFFFFC00, v6;
	v11 =	vor.u32 v11, v12;
	v12 =	vor.u32 $0x200, v16;
	v3 =	vld [tilespmem:s31+$0x20];
	[tilespmem:s29+$0xA0] =	vst v10;
	s29 =	smov.u32 s30  }
0x1b7: {  	v1 =	vshll.u32 v1, $0x3;
	v9 =	vand.u32 $0xFFFFFC00, v9;
	v10 =	vld [tilespmem:s31+$0x30];
	[tilespmem:s30+$0xFFFFFF00] =	vst v14;
	v14 =	vand.u32 $0x7F, v0;
	v0 =	vmovc v8  }
0x1b8: {  	v23 =	vand.u32 $0xFFFFFC00, v1;
	v8 =	vld.idx.msk [tilespmem:v15+s15+$0x0], $0xffff;
	v6 =	vor.u32 v14, v6;
	v14 =	vor.u32 $0x200, v11  }
0x1b9: {  	v18 =	vor.u32 v18, v23;
	v9 =	vor.u32 v19, v9;
	v15 =	vor.u32 $0x200, v6;
	v19 =	vld.idx.msk [tilespmem:v20+s15+$0x0], $0xffff;
	[tilespmem:s30+$0x70] =	vst v13  }
0x1ba: {  	v21 =	vor.u32 $0x200, v18;
	v13 =	vor.u32 $0x300, v4;
	v20 =	vor.u32 $0x200, v9;
	v1 =	vmovc v7;
	v22 =	vld.idx.msk [tilespmem:v5+s15+$0x0], $0xffff  }
0x1bb: {  	v7 =	vor.u32 $0x280, v17;
	v12 =	vld.idx.msk [tilespmem:v12+s15+$0x0], $0xffff  }
0x1bc: {  	v23 =	vld [tilespmem:s31+$0xFFFFFFC0];
	v5 =	vshll.u32 v10, $0x3  }
0x1bd: {  	v24 =	vor.u32 $0x280, v16;
	v10 =	vand.u32 $0x7F, v10;
	v5 =	vand.u32 $0xFFFFFC00, v5;
	v14 =	vld.idx.msk [tilespmem:v14+s15+$0x0], $0xffff  }
0x1be: {  	v5 =	vor.u32 v10, v5;
	[tilespmem:s30+$0xFFFFFF80] =	vst v8;
	v8 =	vld.idx.msk [tilespmem:v15+s15+$0x0], $0xffff  }
0x1bf: {  	v10 =	vld.idx.msk [tilespmem:v13+s15+$0x0], $0xffff;
	v13 =	vor.u32 $0x280, v11;
	[tilespmem:s30+$0xFFFFFF50] =	vst v19  }
0x1c0: {  	v15 =	vor.u32 $0x380, v4;
	v19 =	vor.u32 $0x280, v6;
	v21 =	vld.idx.msk [tilespmem:v21+s15+$0x0], $0xffff;
	[tilespmem:s30+$0xF0] =	vst v22  }
0x1c1: {  	v25 =	vor.u32 $0x280, v18;
	v22 =	vor.u32 $0x280, v9;
	v4 =	vshll.u32 v23, $0x3;
	v7 =	vld.idx.msk [tilespmem:v7+s15+$0x0], $0xffff;
	[tilespmem:s30+$0xFFFFFF60] =	vst v12  }
0x1c2: {  	v12 =	vand.u32 $0x7F, v23;
	v23 =	vor.u32 $0x300, v17;
	v4 =	vand.u32 $0xFFFFFC00, v4;
	v24 =	vld.idx.msk [tilespmem:v24+s15+$0x0], $0xffff  }
0x1c3: {  	v4 =	vor.u32 v12, v4;
	v12 =	vld.idx.msk [tilespmem:v20+s15+$0x0], $0xffff;
	[tilespmem:s30+$0xFFFFFF30] =	vst v14  }
0x1c4: {  	[tilespmem:s30+$0xFFFFFF10] =	vst v8;
	v8 =	vld.idx.msk [tilespmem:v13+s15+$0x0], $0xffff;
	v13 =	vor.u32 $0x300, v16  }
0x1c5: {  	[tilespmem:s30+$0x0] =	vst v10;
	v10 =	vld.idx.msk [tilespmem:v19+s15+$0x0], $0xffff  }
0x1c6: {  	v14 =	vld.idx.msk [tilespmem:v15+s15+$0x0], $0xffff;
	v15 =	vor.u32 $0x300, v11;
	[tilespmem:s30+$0xFFFFFF40] =	vst v21  }
0x1c7: {  	v19 =	vor.u32 $0x300, v6;
	v20 =	vld.idx.msk [tilespmem:v25+s15+$0x0], $0xffff;
	[tilespmem:s30+$0xFFFFFFD0] =	vst v7  }
0x1c8: {  	v21 =	vor.u32 $0x300, v9;
	v7 =	vor.u32 $0x200, v5;
	v25 =	vor.u32 $0x300, v18;
	v23 =	vld.idx.msk [tilespmem:v23+s15+$0x0], $0xffff;
	[tilespmem:s30+$0xFFFFFFE0] =	vst v24  }
0x1c9: {  	[tilespmem:s30+$0xFFFFFF20] =	vst v12;
	v12 =	vld.idx.msk [tilespmem:v13+s15+$0x0], $0xffff  }
0x1ca: {  	v13 =	vld.idx.msk [tilespmem:v22+s15+$0x0], $0xffff;
	[tilespmem:s30+$0xFFFFFFB0] =	vst v8;
	v8 =	vor.u32 $0x380, v17  }
0x1cb: {  	[tilespmem:s30+$0xFFFFFF90] =	vst v10;
	v15 =	vld.idx.msk [tilespmem:v15+s15+$0x0], $0xffff;
	v10 =	vor.u32 $0x380, v16  }
0x1cc: {  	[tilespmem:s30+$0x80] =	vst v14;
	v14 =	vld.idx.msk [tilespmem:v19+s15+$0x0], $0xffff  }
0x1cd: {  	v11 =	vor.u32 $0x380, v11;
	v7 =	vld.idx.msk [tilespmem:v7+s15+$0x0], $0xffff;
	[tilespmem:s30+$0xFFFFFFC0] =	vst v20  }
0x1ce: {  	v6 =	vor.u32 $0x380, v6;
	v16 =	vld.idx.msk [tilespmem:v25+s15+$0x0], $0xffff;
	[tilespmem:s30+$0x50] =	vst v23  }
0x1cf: {  	v17 =	vor.u32 $0x280, v5;
	v19 =	vld.idx.msk [tilespmem:v8+s15+$0x0], $0xffff;
	[tilespmem:s30+$0x60] =	vst v12  }
0x1d0: {  	v12 =	vor.u32 $0x380, v18;
	[tilespmem:s30+$0xFFFFFFA0] =	vst v13;
	v18 =	vld.idx.msk [tilespmem:v10+s15+$0x0], $0xffff  }
0x1d1: {  	v10 =	vor.u32 $0x380, v9;
	v20 =	vld.idx.msk [tilespmem:v21+s15+$0x0], $0xffff;
	[tilespmem:s30+$0x30] =	vst v15  }
0x1d2: {  	s30 =	sadd.s32 $0x200, s30;
	[tilespmem:s29+$0x10] =	vst v14;
	v8 =	vld.idx.msk [tilespmem:v11+s15+$0x0], $0xffff  }
.Ltmp5:
0x1d3: {  	[tilespmem:s30+$0xFFFFFF70] =	vst v7;
	v6 =	vld.idx.msk [tilespmem:v6+s15+$0x0], $0xffff;
	(pc) =	sbr.rel @p1 .LBB2_9-.Ltmp5, $4  }
0x1d4: {  	v14 =	vor.u32 $0x200, v4;
	v11 =	vld.idx.msk [tilespmem:v17+s15+$0x0], $0xffff;
	[tilespmem:s29+$0x40] =	vst v16  }
0x1d5: {  	v7 =	vld.idx.msk [tilespmem:v12+s15+$0x0], $0xffff;
	[tilespmem:s29+$0xD0] =	vst v19  }
0x1d6: {  	v13 =	vor.u32 $0x300, v5;
	v12 =	vld [tilespmem:s31+$0xFFFFFFF0];
	[tilespmem:s29+$0xE0] =	vst v18  }
0x1d7: {  	v9 =	vld [tilespmem:s31+$0xFFFFFFE0];
	[tilespmem:s29+$0x20] =	vst v20  }
0x1d8: {  	_ =	sdelay $0x1  }
0x1d9: {  	v15 =	vor.u32 $0x280, v4;
	v16 =	vshll.u32 v3, $0x3;
	v5 =	vor.u32 $0x380, v5  }
0x1da: {  	v17 =	vshll.u32 v2, $0x3;
	v21 =	vand.u32 $0x7F, v3;
	v22 =	vand.u32 $0x7F, v2  }
0x1db: {  	v14 =	vld.idx.msk [tilespmem:v14+s15+$0x0], $0xffff;
	v18 =	vshll.u32 v0, $0x3;
	v27 =	vand.u32 $0x7F, v0;
	v17 =	vand.u32 $0xFFFFFC00, v17  }
0x1dc: {  	v28 =	vshll.u32 v1, $0x3;
	v30 =	vand.u32 $0x7F, v1;
	[tilespmem:s30+$0xFFFFFFF0] =	vst v11;
	v2 =	vor.u32 v22, v17  }
0x1dd: {  	v16 =	vand.u32 $0xFFFFFC00, v16;
	v25 =	vand.u32 $0xFFFFFC00, v18;
	v13 =	vld.idx.msk [tilespmem:v13+s15+$0x0], $0xffff;
	v17 =	vor.u32 $0x200, v2  }
0x1de: {  	v3 =	vor.u32 v21, v16;
	v0 =	vor.u32 v27, v25;
	v24 =	vshll.u32 v12, $0x3  }
0x1df: {  	v23 =	vand.u32 $0x7F, v12;
	v26 =	vor.u32 $0x200, v3;
	v12 =	vand.u32 $0xFFFFFC00, v24  }
0x1e0: {  	v10 =	vld.idx.msk [tilespmem:v10+s15+$0x0], $0xffff;
	v35 =	vor.u32 $0x300, v4;
	v32 =	vor.u32 $0x200, v0;
	v11 =	vor.u32 v23, v12;
	[tilespmem:s30+$0xFFFFFF00] =	vst v14  }
0x1e1: {  	[tilespmem:s29+$0xB0] =	vst v8;
	v33 =	vshll.u32 v9, $0x3;
	v14 =	vand.u32 $0xFFFFFC00, v28;
	v29 =	vor.u32 $0x200, v11;
	v31 =	vld.idx.msk [tilespmem:v15+s15+$0x0], $0xffff  }
0x1e2: {  	v36 =	vand.u32 $0x7F, v9;
	v37 =	vand.u32 $0xFFFFFC00, v33;
	v1 =	vor.u32 v30, v14;
	[tilespmem:s30+$0x70] =	vst v13;
	v34 =	vld.idx.msk [tilespmem:v17+s15+$0x0], $0xffff  }
0x1e3: {  	[tilespmem:s29+$0x90] =	vst v6;
	v39 =	vor.u32 v36, v37;
	v38 =	vor.u32 $0x200, v1;
	v5 =	vld.idx.msk [tilespmem:v5+s15+$0x0], $0xffff  }
0x1e4: {  	[tilespmem:s29+$0xC0] =	vst v7;
	v42 =	vor.u32 $0x200, v39;
	v41 =	vld.idx.msk [tilespmem:v26+s15+$0x0], $0xffff  }
0x1e5: {  	v40 =	vor.u32 $0x280, v2;
	[tilespmem:s29+$0xA0] =	vst v10;
	v45 =	vld.idx.msk [tilespmem:v32+s15+$0x0], $0xffff  }
0x1e6: {  	v44 =	vor.u32 $0x280, v3;
	v43 =	vld.idx.msk [tilespmem:v29+s15+$0x0], $0xffff;
	[tilespmem:s30+$0xFFFFFF80] =	vst v31  }
0x1e7: {  	v47 =	vor.u32 $0x280, v0;
	v13 =	vld.idx.msk [tilespmem:v35+s15+$0x0], $0xffff;
	[tilespmem:s30+$0xFFFFFF50] =	vst v34  }
0x1e8: {  	v46 =	vor.u32 $0x280, v11;
	v17 =	vld.idx.msk [tilespmem:v38+s15+$0x0], $0xffff;
	[tilespmem:s30+$0xF0] =	vst v5  }
0x1e9: {  	v48 =	vor.u32 $0x280, v1;
	v50 =	vld.idx.msk [tilespmem:v42+s15+$0x0], $0xffff;
	[tilespmem:s30+$0xFFFFFF60] =	vst v41  }
0x1ea: {  	v49 =	vor.u32 $0x380, v4;
	[tilespmem:s30+$0xFFFFFF10] =	vst v45;
	v7 =	vld.idx.msk [tilespmem:v40+s15+$0x0], $0xffff  }
0x1eb: {  	v51 =	vor.u32 $0x280, v39;
	v52 =	vld.idx.msk [tilespmem:v44+s15+$0x0], $0xffff;
	[tilespmem:s30+$0xFFFFFF30] =	vst v43  }
0x1ec: {  	v53 =	vor.u32 $0x300, v2;
	v14 =	vld.idx.msk [tilespmem:v47+s15+$0x0], $0xffff;
	[tilespmem:s30+$0x0] =	vst v13  }
0x1ed: {  	v54 =	vor.u32 $0x300, v3;
	v15 =	vld.idx.msk [tilespmem:v46+s15+$0x0], $0xffff;
	[tilespmem:s30+$0xFFFFFF40] =	vst v17  }
0x1ee: {  	v57 =	vor.u32 $0x300, v0;
	[tilespmem:s30+$0xFFFFFF20] =	vst v50;
	v5 =	vld.idx.msk [tilespmem:v48+s15+$0x0], $0xffff  }
0x1ef: {  	v55 =	vor.u32 $0x300, v11;
	v4 =	vld.idx.msk [tilespmem:v49+s15+$0x0], $0xffff;
	[tilespmem:s30+$0xFFFFFFD0] =	vst v7  }
0x1f0: {  	v56 =	vor.u32 $0x300, v1;
	v10 =	vld.idx.msk [tilespmem:v51+s15+$0x0], $0xffff;
	[tilespmem:s30+$0xFFFFFFE0] =	vst v52  }
0x1f1: {  	v58 =	vor.u32 $0x300, v39;
	[tilespmem:s30+$0xFFFFFF90] =	vst v14;
	v8 =	vld.idx.msk [tilespmem:v53+s15+$0x0], $0xffff  }
0x1f2: {  	v2 =	vor.u32 $0x380, v2;
	v13 =	vld.idx.msk [tilespmem:v54+s15+$0x0], $0xffff;
	[tilespmem:s30+$0xFFFFFFB0] =	vst v15  }
0x1f3: {  	v3 =	vor.u32 $0x380, v3;
	v61 =	vld.idx.msk [tilespmem:v57+s15+$0x0], $0xffff;
	[tilespmem:s30+$0xFFFFFFC0] =	vst v5  }
0x1f4: {  	v0 =	vor.u32 $0x380, v0;
	v59 =	vld.idx.msk [tilespmem:v55+s15+$0x0], $0xffff;
	[tilespmem:s30+$0x80] =	vst v4  }
0x1f5: {  	v60 =	vor.u32 $0x380, v11;
	[tilespmem:s30+$0xFFFFFFA0] =	vst v10;
	v5 =	vld.idx.msk [tilespmem:v56+s15+$0x0], $0xffff  }
0x1f6: {  	v1 =	vor.u32 $0x380, v1;
	v62 =	vld.idx.msk [tilespmem:v58+s15+$0x0], $0xffff;
	[tilespmem:s30+$0x50] =	vst v8  }
0x1f7: {  	v6 =	vor.u32 $0x380, v39;
	[tilespmem:s30+$0x60] =	vst v13;
	v2 =	vld.idx.msk [tilespmem:v2+s15+$0x0], $0xffff  }
0x1f8: {  	[tilespmem:s30+$0x10] =	vst v61;
	v3 =	vld.idx.msk [tilespmem:v3+s15+$0x0], $0xffff  }
0x1f9: {  	v0 =	vld.idx.msk [tilespmem:v0+s15+$0x0], $0xffff;
	[tilespmem:s30+$0x30] =	vst v59  }
0x1fa: {  	v4 =	vld.idx.msk [tilespmem:v60+s15+$0x0], $0xffff;
	[tilespmem:s30+$0x40] =	vst v5  }
0x1fb: {  	[tilespmem:s30+$0x20] =	vst v62;
	v1 =	vld.idx.msk [tilespmem:v1+s15+$0x0], $0xffff  }
0x1fc: {  	v63 =	vld.idx.msk [tilespmem:v6+s15+$0x0], $0xffff;
	[tilespmem:s30+$0xD0] =	vst v2  }
0x1fd: {  	[tilespmem:s30+$0xE0] =	vst v3  }
.Ltmp6:
0x1fe: {  	[tilespmem:s30+$0x90] =	vst v0;
	(pc) =	sbr.rel @p0 .LBB2_12-.Ltmp6, $4  }
0x1ff: {  	[tilespmem:s30+$0xB0] =	vst v4  }
0x200: {  	[tilespmem:s30+$0xC0] =	vst v1  }
0x201: {  	s2 =	sadd.s32 s28, s9;
	[tilespmem:s30+$0xA0] =	vst v63  }
0x202: {  	[hbm4b:s2+s17] =	stream.strided.scatter [tilespmem:s20], [sflag:$0x4], $0x4000, s18, s17, $0x38;
	[tilespmem:$0x19000] =	vst v63  }
.Ltmp7:
0x203: {  	(pc) =	sbr.rel .LBB2_2-.Ltmp7, $4  }
0x204: {  	s2 =	sadd.s32 s26, s11  }
0x205: {  	s2 =	sshll.u32 s2, $0x9  }
0x206: {  	s25 =	sadd.s32 $0x1, s25;
	s2 =	sadd.s32 s1, s2  }
0x207: {  	[tilespmem:s15], [sflag:$0x2] =	stream.linear.gather [hbm4b:s2+s5], $0x8000, $0x38;
	[tilespmem:$0x19000] =	vst v63  }
.LBB2_13:
0x208: {  	_ =	sfence.sel $0x180000  }
0x209: {  	[bflag:$0x0] =	sbarrier.arrive $0xFFFF  }
0x20a: {  	_ =	strace $0x90000047  }
0x20b: {  	[bflag:$0x2] =	sbarrier.arrive $0xFFFF  }
0x20c: {  	p0 =	sne.s32 s0, $0x0;
	s0 =	rddreg [dreg:$0x3]  }
0x20d: {  	s0 =	sadd.s32 @!p0 $0x100000, s0  }
0x20e: {  	[sflag:s0] =	ssyncadd.tile.s32 @!p0 $0x1;
	_ =	shalt  }
.Lfunc_end2:
_tile_overlayer_lowered:
.L_overlay_start_2:
0x20f: {  	(tag) =	ssettag $0x2  }
0x210: {  	s0 =	rddreg [dreg:$0x0];
	s2 =	stileid.u32  }
0x211: {  	s1 =	rddreg [dreg:$0x1];
	p0 =	sne.s32 s2, $0x0  }
0x212: {  	s3 =	rddreg [dreg:$0x2];
	[bflag:$0x3] =	sbarrier.arrive $0xFFFF;
	s2 =	simm.s32 @!p0 $0x1C05  }
0x213: {  	[timem:s3], [sflag:s2] =	dma.local @!p0 [hbm:s0], s1  }
0x214: {  	s0 =	simm.s32 @!p0 $0x5  }
0x215: {  	_ =	swait.ge @!p0 [sflag:s0], s1  }
0x216: {  	s1 =	ssub.s32 @!p0 $0x0, s1;
	[sflag:s0] =	ssyncset.done @!p0 $0x0  }
0x217: {  	[sflag:s0] =	ssyncadd.s32 @!p0 s1  }
0x218: {  	[bflag:$0x3] =	sbarrier.arrive $0xFFFF  }
0x219: {  	_ =	shalt  }

</sc_bundles>
